<compile_context>
chip_gen: v7x
topology: tpu7x:2x2x1
jax: 0.10.2.dev20260603
libtpu: 0.0.44.dev20260713+nightly
codegen_flags: <defaults>
</compile_context>

<pallas_src>
import jax
import jax.numpy as jnp
from jax import lax
from jax.experimental import pallas as pl
from jax.experimental.pallas import tpu as pltpu, tpu_sc as plsc

N = 10000
E = 320000
D = 128
H = 32
A = 20
NE = 40
B = 500
NC, NS = 2, 16
NW = NC * NS
EPT = E // NW
CH = 80
NCH = EPT // CH
NP = 10240
ROWS_PER_TILE = NP // NS


def _deg_body(dst_hbm, deg_out, dst_v, deg_v):
    cid = lax.axis_index("c")
    sid = lax.axis_index("s")
    wid = cid * NS + sid
    pltpu.sync_copy(dst_hbm.at[wid], dst_v)

    def zero_body(i, _):
        deg_v[pl.ds(i * 16, 16)] = jnp.zeros((16,), jnp.float32)
        return 0

    lax.fori_loop(0, N // 16, zero_body, 0)
    ones = jnp.ones((16,), jnp.float32)

    def body(j, _):
        idx = dst_v[pl.ds(j * 16, 16)]
        plsc.addupdate_scatter(deg_v, [idx], ones)
        return 0

    lax.fori_loop(0, EPT // 16, body, 0)
    pltpu.sync_copy(deg_v, deg_out.at[wid])


def _deg_call(dst2):
    mesh = plsc.VectorSubcoreMesh(
        core_axis_name="c", subcore_axis_name="s", num_cores=NC, num_subcores=NS
    )
    return pl.kernel(
        _deg_body,
        out_type=jax.ShapeDtypeStruct((NW, N), jnp.float32),
        mesh=mesh,
        scratch_types=[
            pltpu.VMEM((EPT,), jnp.int32),
            pltpu.VMEM((N,), jnp.float32),
        ],
        compiler_params=pltpu.CompilerParams(needs_layout_passes=False),
    )(dst2)


def _proj_body(state_ref, w_ref, deg_ref, y_ref):
    deg = jnp.sum(deg_ref[...], axis=1) + 1.0
    dinv = lax.rsqrt(deg)
    xw = jnp.dot(state_ref[...], w_ref[...], preferred_element_type=jnp.float32)
    y_ref[...] = xw * dinv[:, None]


def _proj_call(state, w_gcn, deg_part):
    blk = 1000
    return pl.pallas_call(
        _proj_body,
        grid=(N // blk,),
        in_specs=[
            pl.BlockSpec((blk, D), lambda i: (i, 0)),
            pl.BlockSpec((D, D), lambda i: (0, 0)),
            pl.BlockSpec((blk, NW), lambda i: (i, 0)),
        ],
        out_specs=pl.BlockSpec((blk, D), lambda i: (i, 0)),
        out_shape=jax.ShapeDtypeStruct((N, D), jnp.float32),
    )(state, w_gcn, deg_part)


def _scat_body(y_hbm, src_hbm, dst_hbm, acc_out,
               src_v, dst_v, rows_a, acc_sh, sem_g, sem_s):
    cid = lax.axis_index("c")
    sid = lax.axis_index("s")
    wid = cid * NS + sid
    pltpu.sync_copy(src_hbm.at[wid], src_v)
    pltpu.sync_copy(dst_hbm.at[wid], dst_v)

    def zb(i, _):
        for t in range(D // 16):
            rows_a[i, pl.ds(t * 16, 16)] = jnp.zeros((16,), jnp.float32)
        return 0

    lax.fori_loop(0, CH, zb, 0)
    for k in range(ROWS_PER_TILE // CH):
        off = pl.multiple_of(sid * ROWS_PER_TILE + k * CH, 8)
        pltpu.sync_copy(rows_a, acc_sh.at[pl.ds(off, CH)])
    rem = ROWS_PER_TILE - (ROWS_PER_TILE // CH) * CH
    if rem:
        off = pl.multiple_of(sid * ROWS_PER_TILE + (ROWS_PER_TILE // CH) * CH, 8)
        pltpu.sync_copy(rows_a.at[pl.ds(0, rem)], acc_sh.at[pl.ds(off, rem)])
    plsc.subcore_barrier()

    def body(j, _):
        pltpu.async_copy(y_hbm.at[src_v.at[j]], rows_a, sem_g).wait()
        pltpu.async_copy(rows_a, acc_sh.at[dst_v.at[j]], sem_s, add=True).wait()
        return 0

    lax.fori_loop(0, NCH, body, 0)
    plsc.subcore_barrier()
    off = pl.multiple_of(sid * ROWS_PER_TILE, 8)
    pltpu.sync_copy(
        acc_sh.at[pl.ds(off, ROWS_PER_TILE)],
        acc_out.at[cid, pl.ds(off, ROWS_PER_TILE)],
    )


def _scat_call(y, src3, dst3):
    mesh = plsc.VectorSubcoreMesh(
        core_axis_name="c", subcore_axis_name="s", num_cores=NC, num_subcores=NS
    )
    return pl.kernel(
        _scat_body,
        out_type=jax.ShapeDtypeStruct((NC, NP, D), jnp.float32),
        mesh=mesh,
        scratch_types=[
            pltpu.VMEM((NCH, CH), jnp.int32),
            pltpu.VMEM((NCH, CH), jnp.int32),
            pltpu.VMEM((CH, D), jnp.float32),
            pltpu.VMEM_SHARED((NP, D), jnp.float32),
            pltpu.SemaphoreType.DMA,
            pltpu.SemaphoreType.DMA,
        ],
    )(y, src3, dst3)


def _epi_body(acc_ref, y_ref, state_ref, deg_ref, bg_ref, w1_ref, u_ref, v_ref):
    deg = jnp.sum(deg_ref[...], axis=1) + 1.0
    dinv = lax.rsqrt(deg)
    s = (acc_ref[0] + acc_ref[1] + y_ref[...]) * dinv[:, None] + bg_ref[...]
    z = jnp.maximum(s, 0.0) + state_ref[...]
    u_ref[...] = jnp.dot(z, w1_ref[0:D], preferred_element_type=jnp.float32)
    v_ref[...] = jnp.dot(z, w1_ref[D : 2 * D], preferred_element_type=jnp.float32)


def _epi_call(acc, y, state, deg_part, bg2, w_l1):
    blk = 1000
    return pl.pallas_call(
        _epi_body,
        grid=(N // blk,),
        in_specs=[
            pl.BlockSpec((NC, blk, D), lambda i: (0, i, 0)),
            pl.BlockSpec((blk, D), lambda i: (i, 0)),
            pl.BlockSpec((blk, D), lambda i: (i, 0)),
            pl.BlockSpec((blk, NW), lambda i: (i, 0)),
            pl.BlockSpec((1, D), lambda i: (0, 0)),
            pl.BlockSpec((2 * D, H), lambda i: (0, 0)),
        ],
        out_specs=[
            pl.BlockSpec((blk, H), lambda i: (i, 0)),
            pl.BlockSpec((blk, H), lambda i: (i, 0)),
        ],
        out_shape=[
            jax.ShapeDtypeStruct((N, H), jnp.float32),
            jax.ShapeDtypeStruct((N, H), jnp.float32),
        ],
    )(acc, y, state, deg_part, bg2, w_l1)


def _head_body(u_ref, v_ref, edges_ref, b1_ref, w2_ref, b2_ref, wmu_ref, bmu_ref, m_ref):
    es = edges_ref[:, 0].astype(jnp.float32)
    ed = edges_ref[:, 1].astype(jnp.float32)
    W = NE * H
    P = A * H
    rep = (
        jax.lax.broadcasted_iota(jnp.int32, (NE, W), 1) // H
        == jax.lax.broadcasted_iota(jnp.int32, (NE, W), 0)
    ).astype(jnp.float32)
    es_q = jnp.dot(es[None, :], rep, preferred_element_type=jnp.float32)
    ed_q = jnp.dot(ed[None, :], rep, preferred_element_type=jnp.float32)
    pi = jax.lax.broadcasted_iota(jnp.int32, (P, W), 0)
    qi = jax.lax.broadcasted_iota(jnp.int32, (P, W), 1)
    lane = (pi % H) == (qi % H)
    krow = (pi // H).astype(jnp.float32)
    one = jnp.float32(1.0)
    zero = jnp.float32(0.0)
    Ss = jnp.where(lane & (es_q == krow), one, zero)
    Sd = jnp.where(lane & (ed_q == krow), one, zero)
    pre = jnp.dot(u_ref[...], Ss, preferred_element_type=jnp.float32) + jnp.dot(
        v_ref[...], Sd, preferred_element_type=jnp.float32
    )
    h1 = jnp.concatenate([pre[:, a * H : (a + 1) * H] for a in range(NE)], axis=0)
    h1 = h1 + b1_ref[...]
    h1 = jnp.where(h1 > 0, h1, 0.01 * h1)
    h2 = jnp.dot(h1, w2_ref[...], preferred_element_type=jnp.float32) + b2_ref[...]
    h2 = jnp.where(h2 > 0, h2, 0.01 * h2)
    m = jnp.dot(h2, wmu_ref[...], preferred_element_type=jnp.float32) + bmu_ref[...] + 1e-10
    m_ref[...] = jnp.maximum(m, 0.0) + jnp.log1p(jnp.exp(-jnp.abs(m)))


def _head_call(u2, v2, edges, b1, w_l2, b2, w_mu, bmu):
    return pl.pallas_call(
        _head_body,
        out_shape=jax.ShapeDtypeStruct((B * NE, 1), jnp.float32),
    )(u2, v2, edges, b1, w_l2, b2, w_mu, bmu)


def kernel(state, edge_index, edges, W_gcn, b_gcn, W_l1, b_l1, W_l2, b_l2,
           W_mu, b_mu, W_sig, b_sig):
    src = edge_index[0]
    dst = edge_index[1]
    dst2 = dst.reshape(NW, EPT)
    src3 = src.reshape(NW, NCH, CH)
    dst3 = dst.reshape(NW, NCH, CH)

    deg_part = _deg_call(dst2).T
    y = _proj_call(state, W_gcn, deg_part)
    acc = _scat_call(y, src3, dst3)
    u, v = _epi_call(acc, y, state, deg_part, b_gcn.reshape(1, D), W_l1)
    m = _head_call(
        u.reshape(B, A * H),
        v.reshape(B, A * H),
        edges,
        b_l1.reshape(1, H),
        W_l2,
        b_l2.reshape(1, H),
        W_mu,
        b_mu.reshape(1, 1),
    )
    return m.reshape(NE, B).T

# --- scband reference (transcript-rebuilt; emitter-appended) ---
"""Pipeline reference for scband-gnnactor-1752346657367 (READ-ONLY COPY).

The authoritative reference and input builder live on the scoring server;
editing this copy changes nothing except your own understanding.
"""

import jax, jax.numpy as jnp
import numpy as np

N_NODES = 10000
N_EDGES = 320000
IN_CH = 128
HIDDEN = 32
ACT_DIM = 20
LOG_STD_MIN, LOG_STD_MAX = -20.0, 2.0

_ar = np.arange(ACT_DIM)
_ring = np.stack([_ar, (_ar + 1) % ACT_DIM], axis=1)
_skip = np.stack([_ar, (_ar + 5) % ACT_DIM], axis=1)
EDGES = np.concatenate([_ring, _skip], axis=0).astype(np.int32)  # [40, 2]


def _uniform(key, shape, fan_in):
    s = 1.0 / np.sqrt(fan_in)
    return jax.random.uniform(key, shape, minval=-s, maxval=s, dtype=jnp.float32)


def setup_inputs(seed: int = 0) -> dict:
    key = jax.random.key(seed)
    ks = jax.random.split(key, 12)
    state = jax.random.normal(ks[0], (N_NODES, IN_CH), dtype=jnp.float32)
    edge_index = jax.random.randint(ks[1], (2, N_EDGES), 0, N_NODES, dtype=jnp.int32)
    return {
        "state": state,
        "edge_index": edge_index,
        "edges": jnp.asarray(EDGES),
        "W_gcn": _uniform(ks[2], (IN_CH, IN_CH), IN_CH),
        "b_gcn": jnp.zeros((IN_CH,), dtype=jnp.float32),
        "W_l1": _uniform(ks[3], (2 * IN_CH, HIDDEN), 2 * IN_CH),
        "b_l1": _uniform(ks[4], (HIDDEN,), 2 * IN_CH),
        "W_l2": _uniform(ks[5], (HIDDEN, HIDDEN), HIDDEN),
        "b_l2": _uniform(ks[6], (HIDDEN,), HIDDEN),
        "W_mu": _uniform(ks[7], (HIDDEN, 1), HIDDEN),
        "b_mu": _uniform(ks[8], (1,), HIDDEN),
        "W_sig": _uniform(ks[9], (HIDDEN, 1), HIDDEN),
        "b_sig": _uniform(ks[10], (1,), HIDDEN),
    }


def _gcn_conv(x, edge_index, W, b):
    # PyG GCNConv: add self-loops, symmetric deg^{-1/2} normalization, linear, scatter-add
    n = x.shape[0]
    loop = jnp.arange(n, dtype=edge_index.dtype)
    src = jnp.concatenate([edge_index[0], loop])
    dst = jnp.concatenate([edge_index[1], loop])
    deg = jnp.zeros((n,), dtype=jnp.float32).at[dst].add(1.0)
    dinv = jnp.where(deg > 0, 1.0 / jnp.sqrt(deg), 0.0)
    norm = dinv[src] * dinv[dst]
    xw = x @ W
    msg = xw[src] * norm[:, None]
    out = jnp.zeros_like(xw).at[dst].add(msg)
    return out + b


def reference(state, edge_index, edges, W_gcn, b_gcn, W_l1, b_l1, W_l2, b_l2, W_mu, b_mu, W_sig, b_sig):
    out = jax.nn.relu(_gcn_conv(state, edge_index, W_gcn, b_gcn))
    x = out + state
    x = x.reshape(-1, ACT_DIM, IN_CH)
    e_src = edges[:, 0]
    e_dst = edges[:, 1]
    ef = jnp.concatenate([x[:, e_src, :], x[:, e_dst, :]], axis=2)
    h = jax.nn.leaky_relu(ef @ W_l1 + b_l1, negative_slope=0.01)
    h = jax.nn.leaky_relu(h @ W_l2 + b_l2, negative_slope=0.01)
    log_std = jnp.clip(h @ W_sig + b_sig, LOG_STD_MIN, LOG_STD_MAX)
    std = jnp.exp(log_std).squeeze(-1)
    mu = jax.nn.softplus(h @ W_mu + b_mu + 1e-10).squeeze(-1)
    # deterministic=True path of the torch module (action = mu); std computed for fidelity
    return mu

if __name__ == "__main__":
    import jax
    _d = setup_inputs()
    print(jax.jit(kernel)(*tuple(_d.values())))

</pallas_src>

<mosaic_0001>
#map = affine_map<(d0, d1) -> (0, 0)>
module attributes {stable_mosaic.version = 14 : i64} {
  func.func @_deg_body(%arg0: i32, %arg1: i32, %arg2: memref<32x10000xi32, #tpu.memory_space<hbm>>, %arg3: memref<32x10000xf32, #tpu.memory_space<hbm>>, %arg4: memref<10000xi32, #tpu.memory_space<vmem>>, %arg5: memref<10000xf32, #tpu.memory_space<vmem>>) attributes {dimension_semantics = [#tpu.dimension_semantics<core_parallel>, #tpu.dimension_semantics<subcore_parallel>], iteration_bounds = array<i64: 2, 16>, scalar_prefetch = 0 : i64, scratch_operands = 2 : i64, tpu.core_type = #tpu.core_type<sc_vector_subcore>, window_params = [{transform_indices = #map}, {transform_indices = #map}]} {
    %mul3A = arith.constant 16 : i32
    %mul3A_0 = arith.muli %arg0, %mul3A : i32
    %add3A = arith.addi %mul3A_0, %arg1 : i32
    "tpu.region"() ({
      %run_scoped3A = tpu.sem_alloc : memref<!tpu.dma_semaphore, #tpu.memory_space<semaphore_mem>>
      %dma_start3A = arith.constant 0 : i32
      %dma_start3A_15 = tpu.memref_slice %arg2[%add3A, %dma_start3A] : memref<32x10000xi32, #tpu.memory_space<hbm>> -> memref<1x10000xi32, #tpu.memory_space<hbm>>
      %dma_start3A_16 = tpu.memref_squeeze %dma_start3A_15 : memref<1x10000xi32, #tpu.memory_space<hbm>> -> memref<10000xi32, #tpu.memory_space<hbm>>
      %dma_start3A_17 = arith.constant 0 : i32
      %dma_start3A_18 = tpu.memref_slice %arg2[%add3A, %dma_start3A_17] : memref<32x10000xi32, #tpu.memory_space<hbm>> -> memref<1x10000xi32, #tpu.memory_space<hbm>>
      %dma_start3A_19 = tpu.memref_squeeze %dma_start3A_18 : memref<1x10000xi32, #tpu.memory_space<hbm>> -> memref<10000xi32, #tpu.memory_space<hbm>>
      tpu.enqueue_dma source(%dma_start3A_19 : memref<10000xi32, #tpu.memory_space<hbm>>) target(%arg4 : memref<10000xi32, #tpu.memory_space<vmem>>) target_semaphore(%run_scoped3A : memref<!tpu.dma_semaphore, #tpu.memory_space<semaphore_mem>>)
      %dma_wait3A = arith.constant 0 : i32
      %dma_wait3A_20 = tpu.memref_slice %arg2[%add3A, %dma_wait3A] : memref<32x10000xi32, #tpu.memory_space<hbm>> -> memref<1x10000xi32, #tpu.memory_space<hbm>>
      %dma_wait3A_21 = tpu.memref_squeeze %dma_wait3A_20 : memref<1x10000xi32, #tpu.memory_space<hbm>> -> memref<10000xi32, #tpu.memory_space<hbm>>
      %dma_wait3A_22 = arith.constant 0 : i32
      %dma_wait3A_23 = tpu.memref_slice %arg2[%add3A, %dma_wait3A_22] : memref<32x10000xi32, #tpu.memory_space<hbm>> -> memref<1x10000xi32, #tpu.memory_space<hbm>>
      %dma_wait3A_24 = tpu.memref_squeeze %dma_wait3A_23 : memref<1x10000xi32, #tpu.memory_space<hbm>> -> memref<10000xi32, #tpu.memory_space<hbm>>
      tpu.wait_dma2 semaphore(%run_scoped3A : memref<!tpu.dma_semaphore, #tpu.memory_space<semaphore_mem>>) src(%dma_wait3A_24 : memref<10000xi32, #tpu.memory_space<hbm>>) dst(%arg4 : memref<10000xi32, #tpu.memory_space<vmem>>)
      tpu.yield
    }) : () -> ()
    %scan3A = arith.constant 0 : i32
    %scan3A_1 = arith.constant 0 : i32
    %scan3A_2 = arith.constant 625 : i32
    %scan3A_3 = arith.addi %scan3A_1, %scan3A_2 : i32
    %scan3A_4 = arith.constant 1 : i32
    %scan3A_5 = scf.for %scan3A_15 = %scan3A_1 to %scan3A_3 step %scan3A_4 iter_args(%scan3A_16 = %scan3A) -> (i32)  : i32 {
      %broadcast_in_dim3A_17 = arith.constant 0.000000e+00 : f32
      %broadcast_in_dim3A_18 = vector.broadcast %broadcast_in_dim3A_17 : f32 to vector<16xf32>
      %mul3A_19 = arith.constant 16 : i32
      %mul3A_20 = arith.muli %scan3A_15, %mul3A_19 : i32
      %swap3A = arith.index_cast %mul3A_20 : i32 to index
      %swap3A_21 = tpu.vector_load %arg5[%swap3A] {strides = array<i32>} : memref<10000xf32, #tpu.memory_space<vmem>>, vector<16xf32>,
      tpu.vector_store %arg5[%swap3A], %broadcast_in_dim3A_18 {strides = array<i32>} : memref<10000xf32, #tpu.memory_space<vmem>>, vector<16xf32>,
      %scan3A_22 = arith.constant 0 : i32
      scf.yield %scan3A_22 : i32
    }
    %scan3A_6 = arith.constant 625 : i32
    %broadcast_in_dim3A = arith.constant 1.000000e+00 : f32
    %broadcast_in_dim3A_7 = vector.broadcast %broadcast_in_dim3A : f32 to vector<16xf32>
    %scan3A_8 = arith.constant 0 : i32
    %scan3A_9 = arith.constant 0 : i32
    %scan3A_10 = arith.constant 625 : i32
    %scan3A_11 = arith.addi %scan3A_9, %scan3A_10 : i32
    %scan3A_12 = arith.constant 1 : i32
    %scan3A_13 = scf.for %scan3A_15 = %scan3A_9 to %scan3A_11 step %scan3A_12 iter_args(%scan3A_16 = %scan3A_8) -> (i32)  : i32 {
      %mul3A_17 = arith.constant 16 : i32
      %mul3A_18 = arith.muli %scan3A_15, %mul3A_17 : i32
      %get3A = arith.index_cast %mul3A_18 : i32 to index
      %get3A_19 = tpu.vector_load %arg4[%get3A] {strides = array<i32>} : memref<10000xi32, #tpu.memory_space<vmem>>, vector<16xi32>,
      tpu.vector_store_idx %arg5[%get3A_19], %broadcast_in_dim3A_7 {add = true} : memref<10000xf32, #tpu.memory_space<vmem>>[vector<16xi32>], vector<16xf32>,
      %scan3A_20 = arith.constant 0 : i32
      scf.yield %scan3A_20 : i32
    }
    %scan3A_14 = arith.constant 625 : i32
    "tpu.region"() ({
      %run_scoped3A = tpu.sem_alloc : memref<!tpu.dma_semaphore, #tpu.memory_space<semaphore_mem>>
      %dma_start3A = arith.constant 0 : i32
      %dma_start3A_15 = tpu.memref_slice %arg3[%add3A, %dma_start3A] : memref<32x10000xf32, #tpu.memory_space<hbm>> -> memref<1x10000xf32, #tpu.memory_space<hbm>>
      %dma_start3A_16 = tpu.memref_squeeze %dma_start3A_15 : memref<1x10000xf32, #tpu.memory_space<hbm>> -> memref<10000xf32, #tpu.memory_space<hbm>>
      %dma_start3A_17 = arith.constant 0 : i32
      %dma_start3A_18 = tpu.memref_slice %arg3[%add3A, %dma_start3A_17] : memref<32x10000xf32, #tpu.memory_space<hbm>> -> memref<1x10000xf32, #tpu.memory_space<hbm>>
      %dma_start3A_19 = tpu.memref_squeeze %dma_start3A_18 : memref<1x10000xf32, #tpu.memory_space<hbm>> -> memref<10000xf32, #tpu.memory_space<hbm>>
      tpu.enqueue_dma source(%arg5 : memref<10000xf32, #tpu.memory_space<vmem>>) target(%dma_start3A_19 : memref<10000xf32, #tpu.memory_space<hbm>>) target_semaphore(%run_scoped3A : memref<!tpu.dma_semaphore, #tpu.memory_space<semaphore_mem>>)
      %dma_wait3A = arith.constant 0 : i32
      %dma_wait3A_20 = tpu.memref_slice %arg3[%add3A, %dma_wait3A] : memref<32x10000xf32, #tpu.memory_space<hbm>> -> memref<1x10000xf32, #tpu.memory_space<hbm>>
      %dma_wait3A_21 = tpu.memref_squeeze %dma_wait3A_20 : memref<1x10000xf32, #tpu.memory_space<hbm>> -> memref<10000xf32, #tpu.memory_space<hbm>>
      %dma_wait3A_22 = arith.constant 0 : i32
      %dma_wait3A_23 = tpu.memref_slice %arg3[%add3A, %dma_wait3A_22] : memref<32x10000xf32, #tpu.memory_space<hbm>> -> memref<1x10000xf32, #tpu.memory_space<hbm>>
      %dma_wait3A_24 = tpu.memref_squeeze %dma_wait3A_23 : memref<1x10000xf32, #tpu.memory_space<hbm>> -> memref<10000xf32, #tpu.memory_space<hbm>>
      tpu.wait_dma2 semaphore(%run_scoped3A : memref<!tpu.dma_semaphore, #tpu.memory_space<semaphore_mem>>) src(%arg5 : memref<10000xf32, #tpu.memory_space<vmem>>) dst(%dma_wait3A_24 : memref<10000xf32, #tpu.memory_space<hbm>>)
      tpu.yield
    }) : () -> ()
    return
  }
}

#map = affine_map<(d0, d1) -> (0, 0)>
#map1 = affine_map<(d0, d1) -> (0, 0, 0)>
module attributes {stable_mosaic.version = 14 : i64} {
  func.func @_scat_body(%arg0: i32, %arg1: i32, %arg2: memref<10000x128xf32, #tpu.memory_space<hbm>>, %arg3: memref<32x125x80xi32, #tpu.memory_space<hbm>>, %arg4: memref<32x125x80xi32, #tpu.memory_space<hbm>>, %arg5: memref<2x10240x128xf32, #tpu.memory_space<hbm>>, %arg6: memref<125x80xi32, #tpu.memory_space<vmem>>, %arg7: memref<125x80xi32, #tpu.memory_space<vmem>>, %arg8: memref<80x128xf32, #tpu.memory_space<vmem>>, %arg9: memref<10240x128xf32, #tpu.memory_space<vmem_shared>>, %arg10: memref<!tpu.dma_semaphore, #tpu.memory_space<semaphore_mem>>, %arg11: memref<!tpu.dma_semaphore, #tpu.memory_space<semaphore_mem>>) attributes {dimension_semantics = [#tpu.dimension_semantics<core_parallel>, #tpu.dimension_semantics<subcore_parallel>], iteration_bounds = array<i64: 2, 16>, scalar_prefetch = 0 : i64, scratch_operands = 6 : i64, tpu.core_type = #tpu.core_type<sc_vector_subcore>, window_params = [{transform_indices = #map}, {transform_indices = #map1}, {transform_indices = #map1}, {transform_indices = #map1}]} {
    %mul3A = arith.constant 16 : i32
    %mul3A_0 = arith.muli %arg0, %mul3A : i32
    %add3A = arith.addi %mul3A_0, %arg1 : i32
    "tpu.region"() ({
      %run_scoped3A = tpu.sem_alloc : memref<!tpu.dma_semaphore, #tpu.memory_space<semaphore_mem>>
      %dma_start3A = arith.constant 0 : i32
      %dma_start3A_57 = arith.constant 0 : i32
      %dma_start3A_58 = tpu.memref_slice %arg3[%add3A, %dma_start3A, %dma_start3A_57] : memref<32x125x80xi32, #tpu.memory_space<hbm>> -> memref<1x125x80xi32, #tpu.memory_space<hbm>>
      %dma_start3A_59 = tpu.memref_squeeze %dma_start3A_58 : memref<1x125x80xi32, #tpu.memory_space<hbm>> -> memref<125x80xi32, #tpu.memory_space<hbm>>
      %dma_start3A_60 = arith.constant 0 : i32
      %dma_start3A_61 = arith.constant 0 : i32
      %dma_start3A_62 = tpu.memref_slice %arg3[%add3A, %dma_start3A_60, %dma_start3A_61] : memref<32x125x80xi32, #tpu.memory_space<hbm>> -> memref<1x125x80xi32, #tpu.memory_space<hbm>>
      %dma_start3A_63 = tpu.memref_squeeze %dma_start3A_62 : memref<1x125x80xi32, #tpu.memory_space<hbm>> -> memref<125x80xi32, #tpu.memory_space<hbm>>
      tpu.enqueue_dma source(%dma_start3A_63 : memref<125x80xi32, #tpu.memory_space<hbm>>) target(%arg6 : memref<125x80xi32, #tpu.memory_space<vmem>>) target_semaphore(%run_scoped3A : memref<!tpu.dma_semaphore, #tpu.memory_space<semaphore_mem>>)
      %dma_wait3A = arith.constant 0 : i32
      %dma_wait3A_64 = arith.constant 0 : i32
      %dma_wait3A_65 = tpu.memref_slice %arg3[%add3A, %dma_wait3A, %dma_wait3A_64] : memref<32x125x80xi32, #tpu.memory_space<hbm>> -> memref<1x125x80xi32, #tpu.memory_space<hbm>>
      %dma_wait3A_66 = tpu.memref_squeeze %dma_wait3A_65 : memref<1x125x80xi32, #tpu.memory_space<hbm>> -> memref<125x80xi32, #tpu.memory_space<hbm>>
      %dma_wait3A_67 = arith.constant 0 : i32
      %dma_wait3A_68 = arith.constant 0 : i32
      %dma_wait3A_69 = tpu.memref_slice %arg3[%add3A, %dma_wait3A_67, %dma_wait3A_68] : memref<32x125x80xi32, #tpu.memory_space<hbm>> -> memref<1x125x80xi32, #tpu.memory_space<hbm>>
      %dma_wait3A_70 = tpu.memref_squeeze %dma_wait3A_69 : memref<1x125x80xi32, #tpu.memory_space<hbm>> -> memref<125x80xi32, #tpu.memory_space<hbm>>
      tpu.wait_dma2 semaphore(%run_scoped3A : memref<!tpu.dma_semaphore, #tpu.memory_space<semaphore_mem>>) src(%dma_wait3A_70 : memref<125x80xi32, #tpu.memory_space<hbm>>) dst(%arg6 : memref<125x80xi32, #tpu.memory_space<vmem>>)
      tpu.yield
    }) : () -> ()
    "tpu.region"() ({
      %run_scoped3A = tpu.sem_alloc : memref<!tpu.dma_semaphore, #tpu.memory_space<semaphore_mem>>
      %dma_start3A = arith.constant 0 : i32
      %dma_start3A_57 = arith.constant 0 : i32
      %dma_start3A_58 = tpu.memref_slice %arg4[%add3A, %dma_start3A, %dma_start3A_57] : memref<32x125x80xi32, #tpu.memory_space<hbm>> -> memref<1x125x80xi32, #tpu.memory_space<hbm>>
      %dma_start3A_59 = tpu.memref_squeeze %dma_start3A_58 : memref<1x125x80xi32, #tpu.memory_space<hbm>> -> memref<125x80xi32, #tpu.memory_space<hbm>>
      %dma_start3A_60 = arith.constant 0 : i32
      %dma_start3A_61 = arith.constant 0 : i32
      %dma_start3A_62 = tpu.memref_slice %arg4[%add3A, %dma_start3A_60, %dma_start3A_61] : memref<32x125x80xi32, #tpu.memory_space<hbm>> -> memref<1x125x80xi32, #tpu.memory_space<hbm>>
      %dma_start3A_63 = tpu.memref_squeeze %dma_start3A_62 : memref<1x125x80xi32, #tpu.memory_space<hbm>> -> memref<125x80xi32, #tpu.memory_space<hbm>>
      tpu.enqueue_dma source(%dma_start3A_63 : memref<125x80xi32, #tpu.memory_space<hbm>>) target(%arg7 : memref<125x80xi32, #tpu.memory_space<vmem>>) target_semaphore(%run_scoped3A : memref<!tpu.dma_semaphore, #tpu.memory_space<semaphore_mem>>)
      %dma_wait3A = arith.constant 0 : i32
      %dma_wait3A_64 = arith.constant 0 : i32
      %dma_wait3A_65 = tpu.memref_slice %arg4[%add3A, %dma_wait3A, %dma_wait3A_64] : memref<32x125x80xi32, #tpu.memory_space<hbm>> -> memref<1x125x80xi32, #tpu.memory_space<hbm>>
      %dma_wait3A_66 = tpu.memref_squeeze %dma_wait3A_65 : memref<1x125x80xi32, #tpu.memory_space<hbm>> -> memref<125x80xi32, #tpu.memory_space<hbm>>
      %dma_wait3A_67 = arith.constant 0 : i32
      %dma_wait3A_68 = arith.constant 0 : i32
      %dma_wait3A_69 = tpu.memref_slice %arg4[%add3A, %dma_wait3A_67, %dma_wait3A_68] : memref<32x125x80xi32, #tpu.memory_space<hbm>> -> memref<1x125x80xi32, #tpu.memory_space<hbm>>
      %dma_wait3A_70 = tpu.memref_squeeze %dma_wait3A_69 : memref<1x125x80xi32, #tpu.memory_space<hbm>> -> memref<125x80xi32, #tpu.memory_space<hbm>>
      tpu.wait_dma2 semaphore(%run_scoped3A : memref<!tpu.dma_semaphore, #tpu.memory_space<semaphore_mem>>) src(%dma_wait3A_70 : memref<125x80xi32, #tpu.memory_space<hbm>>) dst(%arg7 : memref<125x80xi32, #tpu.memory_space<vmem>>)
      tpu.yield
    }) : () -> ()
    %scan3A = arith.constant 0 : i32
    %scan3A_1 = arith.constant 0 : i32
    %scan3A_2 = arith.constant 80 : i32
    %scan3A_3 = arith.addi %scan3A_1, %scan3A_2 : i32
    %scan3A_4 = arith.constant 1 : i32
    %scan3A_5 = scf.for %scan3A_57 = %scan3A_1 to %scan3A_3 step %scan3A_4 iter_args(%scan3A_58 = %scan3A) -> (i32)  : i32 {
      %broadcast_in_dim3A = arith.constant 0.000000e+00 : f32
      %broadcast_in_dim3A_59 = vector.broadcast %broadcast_in_dim3A : f32 to vector<16xf32>
      %swap3A = arith.index_cast %scan3A_57 : i32 to index
      %swap3A_60 = arith.constant 0 : index
      %swap3A_61 = tpu.vector_load %arg8[%swap3A, %swap3A_60] {strides = array<i32>} : memref<80x128xf32, #tpu.memory_space<vmem>>, vector<1x16xf32>,
      %swap3A_62 = vector.shape_cast %swap3A_61 : vector<1x16xf32> to vector<16xf32>
      %swap3A_63 = vector.shape_cast %broadcast_in_dim3A_59 : vector<16xf32> to vector<1x16xf32>
      tpu.vector_store %arg8[%swap3A, %swap3A_60], %swap3A_63 {strides = array<i32>} : memref<80x128xf32, #tpu.memory_space<vmem>>, vector<1x16xf32>,
      %broadcast_in_dim3A_64 = arith.constant 0.000000e+00 : f32
      %broadcast_in_dim3A_65 = vector.broadcast %broadcast_in_dim3A_64 : f32 to vector<16xf32>
      %swap3A_66 = arith.index_cast %scan3A_57 : i32 to index
      %swap3A_67 = arith.constant 16 : index
      %swap3A_68 = tpu.vector_load %arg8[%swap3A_66, %swap3A_67] {strides = array<i32>} : memref<80x128xf32, #tpu.memory_space<vmem>>, vector<1x16xf32>,
      %swap3A_69 = vector.shape_cast %swap3A_68 : vector<1x16xf32> to vector<16xf32>
      %swap3A_70 = vector.shape_cast %broadcast_in_dim3A_65 : vector<16xf32> to vector<1x16xf32>
      tpu.vector_store %arg8[%swap3A_66, %swap3A_67], %swap3A_70 {strides = array<i32>} : memref<80x128xf32, #tpu.memory_space<vmem>>, vector<1x16xf32>,
      %broadcast_in_dim3A_71 = arith.constant 0.000000e+00 : f32
      %broadcast_in_dim3A_72 = vector.broadcast %broadcast_in_dim3A_71 : f32 to vector<16xf32>
      %swap3A_73 = arith.index_cast %scan3A_57 : i32 to index
      %swap3A_74 = arith.constant 32 : index
      %swap3A_75 = tpu.vector_load %arg8[%swap3A_73, %swap3A_74] {strides = array<i32>} : memref<80x128xf32, #tpu.memory_space<vmem>>, vector<1x16xf32>,
      %swap3A_76 = vector.shape_cast %swap3A_75 : vector<1x16xf32> to vector<16xf32>
      %swap3A_77 = vector.shape_cast %broadcast_in_dim3A_72 : vector<16xf32> to vector<1x16xf32>
      tpu.vector_store %arg8[%swap3A_73, %swap3A_74], %swap3A_77 {strides = array<i32>} : memref<80x128xf32, #tpu.memory_space<vmem>>, vector<1x16xf32>,
      %broadcast_in_dim3A_78 = arith.constant 0.000000e+00 : f32
      %broadcast_in_dim3A_79 = vector.broadcast %broadcast_in_dim3A_78 : f32 to vector<16xf32>
      %swap3A_80 = arith.index_cast %scan3A_57 : i32 to index
      %swap3A_81 = arith.constant 48 : index
      %swap3A_82 = tpu.vector_load %arg8[%swap3A_80, %swap3A_81] {strides = array<i32>} : memref<80x128xf32, #tpu.memory_space<vmem>>, vector<1x16xf32>,
      %swap3A_83 = vector.shape_cast %swap3A_82 : vector<1x16xf32> to vector<16xf32>
      %swap3A_84 = vector.shape_cast %broadcast_in_dim3A_79 : vector<16xf32> to vector<1x16xf32>
      tpu.vector_store %arg8[%swap3A_80, %swap3A_81], %swap3A_84 {strides = array<i32>} : memref<80x128xf32, #tpu.memory_space<vmem>>, vector<1x16xf32>,
      %broadcast_in_dim3A_85 = arith.constant 0.000000e+00 : f32
      %broadcast_in_dim3A_86 = vector.broadcast %broadcast_in_dim3A_85 : f32 to vector<16xf32>
      %swap3A_87 = arith.index_cast %scan3A_57 : i32 to index
      %swap3A_88 = arith.constant 64 : index
      %swap3A_89 = tpu.vector_load %arg8[%swap3A_87, %swap3A_88] {strides = array<i32>} : memref<80x128xf32, #tpu.memory_space<vmem>>, vector<1x16xf32>,
      %swap3A_90 = vector.shape_cast %swap3A_89 : vector<1x16xf32> to vector<16xf32>
      %swap3A_91 = vector.shape_cast %broadcast_in_dim3A_86 : vector<16xf32> to vector<1x16xf32>
      tpu.vector_store %arg8[%swap3A_87, %swap3A_88], %swap3A_91 {strides = array<i32>} : memref<80x128xf32, #tpu.memory_space<vmem>>, vector<1x16xf32>,
      %broadcast_in_dim3A_92 = arith.constant 0.000000e+00 : f32
      %broadcast_in_dim3A_93 = vector.broadcast %broadcast_in_dim3A_92 : f32 to vector<16xf32>
      %swap3A_94 = arith.index_cast %scan3A_57 : i32 to index
      %swap3A_95 = arith.constant 80 : index
      %swap3A_96 = tpu.vector_load %arg8[%swap3A_94, %swap3A_95] {strides = array<i32>} : memref<80x128xf32, #tpu.memory_space<vmem>>, vector<1x16xf32>,
      %swap3A_97 = vector.shape_cast %swap3A_96 : vector<1x16xf32> to vector<16xf32>
      %swap3A_98 = vector.shape_cast %broadcast_in_dim3A_93 : vector<16xf32> to vector<1x16xf32>
      tpu.vector_store %arg8[%swap3A_94, %swap3A_95], %swap3A_98 {strides = array<i32>} : memref<80x128xf32, #tpu.memory_space<vmem>>, vector<1x16xf32>,
      %broadcast_in_dim3A_99 = arith.constant 0.000000e+00 : f32
      %broadcast_in_dim3A_100 = vector.broadcast %broadcast_in_dim3A_99 : f32 to vector<16xf32>
      %swap3A_101 = arith.index_cast %scan3A_57 : i32 to index
      %swap3A_102 = arith.constant 96 : index
      %swap3A_103 = tpu.vector_load %arg8[%swap3A_101, %swap3A_102] {strides = array<i32>} : memref<80x128xf32, #tpu.memory_space<vmem>>, vector<1x16xf32>,
      %swap3A_104 = vector.shape_cast %swap3A_103 : vector<1x16xf32> to vector<16xf32>
      %swap3A_105 = vector.shape_cast %broadcast_in_dim3A_100 : vector<16xf32> to vector<1x16xf32>
      tpu.vector_store %arg8[%swap3A_101, %swap3A_102], %swap3A_105 {strides = array<i32>} : memref<80x128xf32, #tpu.memory_space<vmem>>, vector<1x16xf32>,
      %broadcast_in_dim3A_106 = arith.constant 0.000000e+00 : f32
      %broadcast_in_dim3A_107 = vector.broadcast %broadcast_in_dim3A_106 : f32 to vector<16xf32>
      %swap3A_108 = arith.index_cast %scan3A_57 : i32 to index
      %swap3A_109 = arith.constant 112 : index
      %swap3A_110 = tpu.vector_load %arg8[%swap3A_108, %swap3A_109] {strides = array<i32>} : memref<80x128xf32, #tpu.memory_space<vmem>>, vector<1x16xf32>,
      %swap3A_111 = vector.shape_cast %swap3A_110 : vector<1x16xf32> to vector<16xf32>
      %swap3A_112 = vector.shape_cast %broadcast_in_dim3A_107 : vector<16xf32> to vector<1x16xf32>
      tpu.vector_store %arg8[%swap3A_108, %swap3A_109], %swap3A_112 {strides = array<i32>} : memref<80x128xf32, #tpu.memory_space<vmem>>, vector<1x16xf32>,
      %scan3A_113 = arith.constant 0 : i32
      scf.yield %scan3A_113 : i32
    }
    %scan3A_6 = arith.constant 80 : i32
    %mul3A_7 = arith.constant 640 : i32
    %mul3A_8 = arith.muli %arg1, %mul3A_7 : i32
    %add3A_9 = arith.constant 0 : i32
    %add3A_10 = arith.addi %mul3A_8, %add3A_9 : i32
    %multiple_of3A = tpu.assume_multiple %add3A_10, 8 : i32
    "tpu.region"() ({
      %run_scoped3A = tpu.sem_alloc : memref<!tpu.dma_semaphore, #tpu.memory_space<semaphore_mem>>
      %dma_start3A = arith.constant 0 : i32
      %dma_start3A_57 = tpu.memref_slice %arg9[%multiple_of3A, %dma_start3A] : memref<10240x128xf32, #tpu.memory_space<vmem_shared>> -> memref<80x128xf32, #tpu.memory_space<vmem_shared>>
      %dma_start3A_58 = arith.constant 0 : i32
      %dma_start3A_59 = tpu.memref_slice %arg9[%multiple_of3A, %dma_start3A_58] : memref<10240x128xf32, #tpu.memory_space<vmem_shared>> -> memref<80x128xf32, #tpu.memory_space<vmem_shared>>
      tpu.enqueue_dma source(%arg8 : memref<80x128xf32, #tpu.memory_space<vmem>>) target(%dma_start3A_59 : memref<80x128xf32, #tpu.memory_space<vmem_shared>>) target_semaphore(%run_scoped3A : memref<!tpu.dma_semaphore, #tpu.memory_space<semaphore_mem>>)
      %dma_wait3A = arith.constant 0 : i32
      %dma_wait3A_60 = tpu.memref_slice %arg9[%multiple_of3A, %dma_wait3A] : memref<10240x128xf32, #tpu.memory_space<vmem_shared>> -> memref<80x128xf32, #tpu.memory_space<vmem_shared>>
      %dma_wait3A_61 = arith.constant 0 : i32
      %dma_wait3A_62 = tpu.memref_slice %arg9[%multiple_of3A, %dma_wait3A_61] : memref<10240x128xf32, #tpu.memory_space<vmem_shared>> -> memref<80x128xf32, #tpu.memory_space<vmem_shared>>
      tpu.wait_dma2 semaphore(%run_scoped3A : memref<!tpu.dma_semaphore, #tpu.memory_space<semaphore_mem>>) src(%arg8 : memref<80x128xf32, #tpu.memory_space<vmem>>) dst(%dma_wait3A_62 : memref<80x128xf32, #tpu.memory_space<vmem_shared>>)
      tpu.yield
    }) : () -> ()
    %mul3A_11 = arith.constant 640 : i32
    %mul3A_12 = arith.muli %arg1, %mul3A_11 : i32
    %add3A_13 = arith.constant 80 : i32
    %add3A_14 = arith.addi %mul3A_12, %add3A_13 : i32
    %multiple_of3A_15 = tpu.assume_multiple %add3A_14, 8 : i32
    "tpu.region"() ({
      %run_scoped3A = tpu.sem_alloc : memref<!tpu.dma_semaphore, #tpu.memory_space<semaphore_mem>>
      %dma_start3A = arith.constant 0 : i32
      %dma_start3A_57 = tpu.memref_slice %arg9[%multiple_of3A_15, %dma_start3A] : memref<10240x128xf32, #tpu.memory_space<vmem_shared>> -> memref<80x128xf32, #tpu.memory_space<vmem_shared>>
      %dma_start3A_58 = arith.constant 0 : i32
      %dma_start3A_59 = tpu.memref_slice %arg9[%multiple_of3A_15, %dma_start3A_58] : memref<10240x128xf32, #tpu.memory_space<vmem_shared>> -> memref<80x128xf32, #tpu.memory_space<vmem_shared>>
      tpu.enqueue_dma source(%arg8 : memref<80x128xf32, #tpu.memory_space<vmem>>) target(%dma_start3A_59 : memref<80x128xf32, #tpu.memory_space<vmem_shared>>) target_semaphore(%run_scoped3A : memref<!tpu.dma_semaphore, #tpu.memory_space<semaphore_mem>>)
      %dma_wait3A = arith.constant 0 : i32
      %dma_wait3A_60 = tpu.memref_slice %arg9[%multiple_of3A_15, %dma_wait3A] : memref<10240x128xf32, #tpu.memory_space<vmem_shared>> -> memref<80x128xf32, #tpu.memory_space<vmem_shared>>
      %dma_wait3A_61 = arith.constant 0 : i32
      %dma_wait3A_62 = tpu.memref_slice %arg9[%multiple_of3A_15, %dma_wait3A_61] : memref<10240x128xf32, #tpu.memory_space<vmem_shared>> -> memref<80x128xf32, #tpu.memory_space<vmem_shared>>
      tpu.wait_dma2 semaphore(%run_scoped3A : memref<!tpu.dma_semaphore, #tpu.memory_space<semaphore_mem>>) src(%arg8 : memref<80x128xf32, #tpu.memory_space<vmem>>) dst(%dma_wait3A_62 : memref<80x128xf32, #tpu.memory_space<vmem_shared>>)
      tpu.yield
    }) : () -> ()
    %mul3A_16 = arith.constant 640 : i32
    %mul3A_17 = arith.muli %arg1, %mul3A_16 : i32
    %add3A_18 = arith.constant 160 : i32
    %add3A_19 = arith.addi %mul3A_17, %add3A_18 : i32
    %multiple_of3A_20 = tpu.assume_multiple %add3A_19, 8 : i32
    "tpu.region"() ({
      %run_scoped3A = tpu.sem_alloc : memref<!tpu.dma_semaphore, #tpu.memory_space<semaphore_mem>>
      %dma_start3A = arith.constant 0 : i32
      %dma_start3A_57 = tpu.memref_slice %arg9[%multiple_of3A_20, %dma_start3A] : memref<10240x128xf32, #tpu.memory_space<vmem_shared>> -> memref<80x128xf32, #tpu.memory_space<vmem_shared>>
      %dma_start3A_58 = arith.constant 0 : i32
      %dma_start3A_59 = tpu.memref_slice %arg9[%multiple_of3A_20, %dma_start3A_58] : memref<10240x128xf32, #tpu.memory_space<vmem_shared>> -> memref<80x128xf32, #tpu.memory_space<vmem_shared>>
      tpu.enqueue_dma source(%arg8 : memref<80x128xf32, #tpu.memory_space<vmem>>) target(%dma_start3A_59 : memref<80x128xf32, #tpu.memory_space<vmem_shared>>) target_semaphore(%run_scoped3A : memref<!tpu.dma_semaphore, #tpu.memory_space<semaphore_mem>>)
      %dma_wait3A = arith.constant 0 : i32
      %dma_wait3A_60 = tpu.memref_slice %arg9[%multiple_of3A_20, %dma_wait3A] : memref<10240x128xf32, #tpu.memory_space<vmem_shared>> -> memref<80x128xf32, #tpu.memory_space<vmem_shared>>
      %dma_wait3A_61 = arith.constant 0 : i32
      %dma_wait3A_62 = tpu.memref_slice %arg9[%multiple_of3A_20, %dma_wait3A_61] : memref<10240x128xf32, #tpu.memory_space<vmem_shared>> -> memref<80x128xf32, #tpu.memory_space<vmem_shared>>
      tpu.wait_dma2 semaphore(%run_scoped3A : memref<!tpu.dma_semaphore, #tpu.memory_space<semaphore_mem>>) src(%arg8 : memref<80x128xf32, #tpu.memory_space<vmem>>) dst(%dma_wait3A_62 : memref<80x128xf32, #tpu.memory_space<vmem_shared>>)
      tpu.yield
    }) : () -> ()
    %mul3A_21 = arith.constant 640 : i32
    %mul3A_22 = arith.muli %arg1, %mul3A_21 : i32
    %add3A_23 = arith.constant 240 : i32
    %add3A_24 = arith.addi %mul3A_22, %add3A_23 : i32
    %multiple_of3A_25 = tpu.assume_multiple %add3A_24, 8 : i32
    "tpu.region"() ({
      %run_scoped3A = tpu.sem_alloc : memref<!tpu.dma_semaphore, #tpu.memory_space<semaphore_mem>>
      %dma_start3A = arith.constant 0 : i32
      %dma_start3A_57 = tpu.memref_slice %arg9[%multiple_of3A_25, %dma_start3A] : memref<10240x128xf32, #tpu.memory_space<vmem_shared>> -> memref<80x128xf32, #tpu.memory_space<vmem_shared>>
      %dma_start3A_58 = arith.constant 0 : i32
      %dma_start3A_59 = tpu.memref_slice %arg9[%multiple_of3A_25, %dma_start3A_58] : memref<10240x128xf32, #tpu.memory_space<vmem_shared>> -> memref<80x128xf32, #tpu.memory_space<vmem_shared>>
      tpu.enqueue_dma source(%arg8 : memref<80x128xf32, #tpu.memory_space<vmem>>) target(%dma_start3A_59 : memref<80x128xf32, #tpu.memory_space<vmem_shared>>) target_semaphore(%run_scoped3A : memref<!tpu.dma_semaphore, #tpu.memory_space<semaphore_mem>>)
      %dma_wait3A = arith.constant 0 : i32
      %dma_wait3A_60 = tpu.memref_slice %arg9[%multiple_of3A_25, %dma_wait3A] : memref<10240x128xf32, #tpu.memory_space<vmem_shared>> -> memref<80x128xf32, #tpu.memory_space<vmem_shared>>
      %dma_wait3A_61 = arith.constant 0 : i32
      %dma_wait3A_62 = tpu.memref_slice %arg9[%multiple_of3A_25, %dma_wait3A_61] : memref<10240x128xf32, #tpu.memory_space<vmem_shared>> -> memref<80x128xf32, #tpu.memory_space<vmem_shared>>
      tpu.wait_dma2 semaphore(%run_scoped3A : memref<!tpu.dma_semaphore, #tpu.memory_space<semaphore_mem>>) src(%arg8 : memref<80x128xf32, #tpu.memory_space<vmem>>) dst(%dma_wait3A_62 : memref<80x128xf32, #tpu.memory_space<vmem_shared>>)
      tpu.yield
    }) : () -> ()
    %mul3A_26 = arith.constant 640 : i32
    %mul3A_27 = arith.muli %arg1, %mul3A_26 : i32
    %add3A_28 = arith.constant 320 : i32
    %add3A_29 = arith.addi %mul3A_27, %add3A_28 : i32
    %multiple_of3A_30 = tpu.assume_multiple %add3A_29, 8 : i32
    "tpu.region"() ({
      %run_scoped3A = tpu.sem_alloc : memref<!tpu.dma_semaphore, #tpu.memory_space<semaphore_mem>>
      %dma_start3A = arith.constant 0 : i32
      %dma_start3A_57 = tpu.memref_slice %arg9[%multiple_of3A_30, %dma_start3A] : memref<10240x128xf32, #tpu.memory_space<vmem_shared>> -> memref<80x128xf32, #tpu.memory_space<vmem_shared>>
      %dma_start3A_58 = arith.constant 0 : i32
      %dma_start3A_59 = tpu.memref_slice %arg9[%multiple_of3A_30, %dma_start3A_58] : memref<10240x128xf32, #tpu.memory_space<vmem_shared>> -> memref<80x128xf32, #tpu.memory_space<vmem_shared>>
      tpu.enqueue_dma source(%arg8 : memref<80x128xf32, #tpu.memory_space<vmem>>) target(%dma_start3A_59 : memref<80x128xf32, #tpu.memory_space<vmem_shared>>) target_semaphore(%run_scoped3A : memref<!tpu.dma_semaphore, #tpu.memory_space<semaphore_mem>>)
      %dma_wait3A = arith.constant 0 : i32
      %dma_wait3A_60 = tpu.memref_slice %arg9[%multiple_of3A_30, %dma_wait3A] : memref<10240x128xf32, #tpu.memory_space<vmem_shared>> -> memref<80x128xf32, #tpu.memory_space<vmem_shared>>
      %dma_wait3A_61 = arith.constant 0 : i32
      %dma_wait3A_62 = tpu.memref_slice %arg9[%multiple_of3A_30, %dma_wait3A_61] : memref<10240x128xf32, #tpu.memory_space<vmem_shared>> -> memref<80x128xf32, #tpu.memory_space<vmem_shared>>
      tpu.wait_dma2 semaphore(%run_scoped3A : memref<!tpu.dma_semaphore, #tpu.memory_space<semaphore_mem>>) src(%arg8 : memref<80x128xf32, #tpu.memory_space<vmem>>) dst(%dma_wait3A_62 : memref<80x128xf32, #tpu.memory_space<vmem_shared>>)
      tpu.yield
    }) : () -> ()
    %mul3A_31 = arith.constant 640 : i32
    %mul3A_32 = arith.muli %arg1, %mul3A_31 : i32
    %add3A_33 = arith.constant 400 : i32
    %add3A_34 = arith.addi %mul3A_32, %add3A_33 : i32
    %multiple_of3A_35 = tpu.assume_multiple %add3A_34, 8 : i32
    "tpu.region"() ({
      %run_scoped3A = tpu.sem_alloc : memref<!tpu.dma_semaphore, #tpu.memory_space<semaphore_mem>>
      %dma_start3A = arith.constant 0 : i32
      %dma_start3A_57 = tpu.memref_slice %arg9[%multiple_of3A_35, %dma_start3A] : memref<10240x128xf32, #tpu.memory_space<vmem_shared>> -> memref<80x128xf32, #tpu.memory_space<vmem_shared>>
      %dma_start3A_58 = arith.constant 0 : i32
      %dma_start3A_59 = tpu.memref_slice %arg9[%multiple_of3A_35, %dma_start3A_58] : memref<10240x128xf32, #tpu.memory_space<vmem_shared>> -> memref<80x128xf32, #tpu.memory_space<vmem_shared>>
      tpu.enqueue_dma source(%arg8 : memref<80x128xf32, #tpu.memory_space<vmem>>) target(%dma_start3A_59 : memref<80x128xf32, #tpu.memory_space<vmem_shared>>) target_semaphore(%run_scoped3A : memref<!tpu.dma_semaphore, #tpu.memory_space<semaphore_mem>>)
      %dma_wait3A = arith.constant 0 : i32
      %dma_wait3A_60 = tpu.memref_slice %arg9[%multiple_of3A_35, %dma_wait3A] : memref<10240x128xf32, #tpu.memory_space<vmem_shared>> -> memref<80x128xf32, #tpu.memory_space<vmem_shared>>
      %dma_wait3A_61 = arith.constant 0 : i32
      %dma_wait3A_62 = tpu.memref_slice %arg9[%multiple_of3A_35, %dma_wait3A_61] : memref<10240x128xf32, #tpu.memory_space<vmem_shared>> -> memref<80x128xf32, #tpu.memory_space<vmem_shared>>
      tpu.wait_dma2 semaphore(%run_scoped3A : memref<!tpu.dma_semaphore, #tpu.memory_space<semaphore_mem>>) src(%arg8 : memref<80x128xf32, #tpu.memory_space<vmem>>) dst(%dma_wait3A_62 : memref<80x128xf32, #tpu.memory_space<vmem_shared>>)
      tpu.yield
    }) : () -> ()
    %mul3A_36 = arith.constant 640 : i32
    %mul3A_37 = arith.muli %arg1, %mul3A_36 : i32
    %add3A_38 = arith.constant 480 : i32
    %add3A_39 = arith.addi %mul3A_37, %add3A_38 : i32
    %multiple_of3A_40 = tpu.assume_multiple %add3A_39, 8 : i32
    "tpu.region"() ({
      %run_scoped3A = tpu.sem_alloc : memref<!tpu.dma_semaphore, #tpu.memory_space<semaphore_mem>>
      %dma_start3A = arith.constant 0 : i32
      %dma_start3A_57 = tpu.memref_slice %arg9[%multiple_of3A_40, %dma_start3A] : memref<10240x128xf32, #tpu.memory_space<vmem_shared>> -> memref<80x128xf32, #tpu.memory_space<vmem_shared>>
      %dma_start3A_58 = arith.constant 0 : i32
      %dma_start3A_59 = tpu.memref_slice %arg9[%multiple_of3A_40, %dma_start3A_58] : memref<10240x128xf32, #tpu.memory_space<vmem_shared>> -> memref<80x128xf32, #tpu.memory_space<vmem_shared>>
      tpu.enqueue_dma source(%arg8 : memref<80x128xf32, #tpu.memory_space<vmem>>) target(%dma_start3A_59 : memref<80x128xf32, #tpu.memory_space<vmem_shared>>) target_semaphore(%run_scoped3A : memref<!tpu.dma_semaphore, #tpu.memory_space<semaphore_mem>>)
      %dma_wait3A = arith.constant 0 : i32
      %dma_wait3A_60 = tpu.memref_slice %arg9[%multiple_of3A_40, %dma_wait3A] : memref<10240x128xf32, #tpu.memory_space<vmem_shared>> -> memref<80x128xf32, #tpu.memory_space<vmem_shared>>
      %dma_wait3A_61 = arith.constant 0 : i32
      %dma_wait3A_62 = tpu.memref_slice %arg9[%multiple_of3A_40, %dma_wait3A_61] : memref<10240x128xf32, #tpu.memory_space<vmem_shared>> -> memref<80x128xf32, #tpu.memory_space<vmem_shared>>
      tpu.wait_dma2 semaphore(%run_scoped3A : memref<!tpu.dma_semaphore, #tpu.memory_space<semaphore_mem>>) src(%arg8 : memref<80x128xf32, #tpu.memory_space<vmem>>) dst(%dma_wait3A_62 : memref<80x128xf32, #tpu.memory_space<vmem_shared>>)
      tpu.yield
    }) : () -> ()
    %mul3A_41 = arith.constant 640 : i32
    %mul3A_42 = arith.muli %arg1, %mul3A_41 : i32
    %add3A_43 = arith.constant 560 : i32
    %add3A_44 = arith.addi %mul3A_42, %add3A_43 : i32
    %multiple_of3A_45 = tpu.assume_multiple %add3A_44, 8 : i32
    "tpu.region"() ({
      %run_scoped3A = tpu.sem_alloc : memref<!tpu.dma_semaphore, #tpu.memory_space<semaphore_mem>>
      %dma_start3A = arith.constant 0 : i32
      %dma_start3A_57 = tpu.memref_slice %arg9[%multiple_of3A_45, %dma_start3A] : memref<10240x128xf32, #tpu.memory_space<vmem_shared>> -> memref<80x128xf32, #tpu.memory_space<vmem_shared>>
      %dma_start3A_58 = arith.constant 0 : i32
      %dma_start3A_59 = tpu.memref_slice %arg9[%multiple_of3A_45, %dma_start3A_58] : memref<10240x128xf32, #tpu.memory_space<vmem_shared>> -> memref<80x128xf32, #tpu.memory_space<vmem_shared>>
      tpu.enqueue_dma source(%arg8 : memref<80x128xf32, #tpu.memory_space<vmem>>) target(%dma_start3A_59 : memref<80x128xf32, #tpu.memory_space<vmem_shared>>) target_semaphore(%run_scoped3A : memref<!tpu.dma_semaphore, #tpu.memory_space<semaphore_mem>>)
      %dma_wait3A = arith.constant 0 : i32
      %dma_wait3A_60 = tpu.memref_slice %arg9[%multiple_of3A_45, %dma_wait3A] : memref<10240x128xf32, #tpu.memory_space<vmem_shared>> -> memref<80x128xf32, #tpu.memory_space<vmem_shared>>
      %dma_wait3A_61 = arith.constant 0 : i32
      %dma_wait3A_62 = tpu.memref_slice %arg9[%multiple_of3A_45, %dma_wait3A_61] : memref<10240x128xf32, #tpu.memory_space<vmem_shared>> -> memref<80x128xf32, #tpu.memory_space<vmem_shared>>
      tpu.wait_dma2 semaphore(%run_scoped3A : memref<!tpu.dma_semaphore, #tpu.memory_space<semaphore_mem>>) src(%arg8 : memref<80x128xf32, #tpu.memory_space<vmem>>) dst(%dma_wait3A_62 : memref<80x128xf32, #tpu.memory_space<vmem_shared>>)
      tpu.yield
    }) : () -> ()
    %barrier3A = arith.constant 0 : index
    tpu.barrier barrier_id(%barrier3A)
    %scan3A_46 = arith.constant 0 : i32
    %scan3A_47 = arith.constant 0 : i32
    %scan3A_48 = arith.constant 125 : i32
    %scan3A_49 = arith.addi %scan3A_47, %scan3A_48 : i32
    %scan3A_50 = arith.constant 1 : i32
    %scan3A_51 = scf.for %scan3A_57 = %scan3A_47 to %scan3A_49 step %scan3A_50 iter_args(%scan3A_58 = %scan3A_46) -> (i32)  : i32 {
      %dma_start3A = arith.constant 0 : i32
      %dma_start3A_59 = tpu.memref_slice %arg6[%scan3A_57, %dma_start3A] : memref<125x80xi32, #tpu.memory_space<vmem>> -> memref<1x80xi32, #tpu.memory_space<vmem>>
      %dma_start3A_60 = tpu.memref_squeeze %dma_start3A_59 : memref<1x80xi32, #tpu.memory_space<vmem>> -> memref<80xi32, #tpu.memory_space<vmem>>
      %dma_start3A_61 = arith.constant 0 : i32
      %dma_start3A_62 = arith.constant 0 : i32
      %dma_start3A_63 = tpu.memref_slice %arg2[%dma_start3A_61, %dma_start3A_62] : memref<10000x128xf32, #tpu.memory_space<hbm>> -> memref<10000x128xf32, #tpu.memory_space<hbm>>
      tpu.enqueue_indirect_dma source(%dma_start3A_63 : memref<10000x128xf32, #tpu.memory_space<hbm>>) target(%arg8 : memref<80x128xf32, #tpu.memory_space<vmem>>) offsets(%dma_start3A_60 : memref<80xi32, #tpu.memory_space<vmem>>) semaphore(%arg10 : memref<!tpu.dma_semaphore, #tpu.memory_space<semaphore_mem>>)
      %dma_wait3A = arith.constant 0 : i32
      %dma_wait3A_64 = tpu.memref_slice %arg6[%scan3A_57, %dma_wait3A] : memref<125x80xi32, #tpu.memory_space<vmem>> -> memref<1x80xi32, #tpu.memory_space<vmem>>
      %dma_wait3A_65 = tpu.memref_squeeze %dma_wait3A_64 : memref<1x80xi32, #tpu.memory_space<vmem>> -> memref<80xi32, #tpu.memory_space<vmem>>
      %dma_wait3A_66 = arith.constant 0 : i32
      %dma_wait3A_67 = arith.constant 0 : i32
      %dma_wait3A_68 = tpu.memref_slice %arg2[%dma_wait3A_66, %dma_wait3A_67] : memref<10000x128xf32, #tpu.memory_space<hbm>> -> memref<10000x128xf32, #tpu.memory_space<hbm>>
      tpu.wait_indirect_dma semaphore(%arg10 : memref<!tpu.dma_semaphore, #tpu.memory_space<semaphore_mem>>) src(%dma_wait3A_68 : memref<10000x128xf32, #tpu.memory_space<hbm>>) dst(%arg8 : memref<80x128xf32, #tpu.memory_space<vmem>>)
      %dma_start3A_69 = arith.constant 0 : i32
      %dma_start3A_70 = tpu.memref_slice %arg7[%scan3A_57, %dma_start3A_69] : memref<125x80xi32, #tpu.memory_space<vmem>> -> memref<1x80xi32, #tpu.memory_space<vmem>>
      %dma_start3A_71 = tpu.memref_squeeze %dma_start3A_70 : memref<1x80xi32, #tpu.memory_space<vmem>> -> memref<80xi32, #tpu.memory_space<vmem>>
      %dma_start3A_72 = arith.constant 0 : i32
      %dma_start3A_73 = arith.constant 0 : i32
      %dma_start3A_74 = tpu.memref_slice %arg9[%dma_start3A_72, %dma_start3A_73] : memref<10240x128xf32, #tpu.memory_space<vmem_shared>> -> memref<10240x128xf32, #tpu.memory_space<vmem_shared>>
      tpu.enqueue_indirect_dma source(%arg8 : memref<80x128xf32, #tpu.memory_space<vmem>>) target(%dma_start3A_74 : memref<10240x128xf32, #tpu.memory_space<vmem_shared>>) offsets(%dma_start3A_71 : memref<80xi32, #tpu.memory_space<vmem>>) semaphore(%arg11 : memref<!tpu.dma_semaphore, #tpu.memory_space<semaphore_mem>>) {add = true}
      %dma_wait3A_75 = arith.constant 0 : i32
      %dma_wait3A_76 = tpu.memref_slice %arg7[%scan3A_57, %dma_wait3A_75] : memref<125x80xi32, #tpu.memory_space<vmem>> -> memref<1x80xi32, #tpu.memory_space<vmem>>
      %dma_wait3A_77 = tpu.memref_squeeze %dma_wait3A_76 : memref<1x80xi32, #tpu.memory_space<vmem>> -> memref<80xi32, #tpu.memory_space<vmem>>
      %dma_wait3A_78 = arith.constant 0 : i32
      %dma_wait3A_79 = arith.constant 0 : i32
      %dma_wait3A_80 = tpu.memref_slice %arg9[%dma_wait3A_78, %dma_wait3A_79] : memref<10240x128xf32, #tpu.memory_space<vmem_shared>> -> memref<10240x128xf32, #tpu.memory_space<vmem_shared>>
      tpu.wait_indirect_dma semaphore(%arg11 : memref<!tpu.dma_semaphore, #tpu.memory_space<semaphore_mem>>) src(%arg8 : memref<80x128xf32, #tpu.memory_space<vmem>>) dst(%dma_wait3A_80 : memref<10240x128xf32, #tpu.memory_space<vmem_shared>>)
      %scan3A_81 = arith.constant 0 : i32
      scf.yield %scan3A_81 : i32
    }
    %scan3A_52 = arith.constant 125 : i32
    %barrier3A_53 = arith.constant 0 : index
    tpu.barrier barrier_id(%barrier3A_53)
    %mul3A_54 = arith.constant 640 : i32
    %mul3A_55 = arith.muli %arg1, %mul3A_54 : i32
    %multiple_of3A_56 = tpu.assume_multiple %mul3A_55, 8 : i32
    "tpu.region"() ({
      %run_scoped3A = tpu.sem_alloc : memref<!tpu.dma_semaphore, #tpu.memory_space<semaphore_mem>>
      %dma_start3A = arith.constant 0 : i32
      %dma_start3A_57 = tpu.memref_slice %arg5[%arg0, %multiple_of3A_56, %dma_start3A] : memref<2x10240x128xf32, #tpu.memory_space<hbm>> -> memref<1x640x128xf32, #tpu.memory_space<hbm>>
      %dma_start3A_58 = tpu.memref_squeeze %dma_start3A_57 : memref<1x640x128xf32, #tpu.memory_space<hbm>> -> memref<640x128xf32, #tpu.memory_space<hbm>>
      %dma_start3A_59 = arith.constant 0 : i32
      %dma_start3A_60 = tpu.memref_slice %arg9[%multiple_of3A_56, %dma_start3A_59] : memref<10240x128xf32, #tpu.memory_space<vmem_shared>> -> memref<640x128xf32, #tpu.memory_space<vmem_shared>>
      tpu.enqueue_dma source(%dma_start3A_60 : memref<640x128xf32, #tpu.memory_space<vmem_shared>>) target(%dma_start3A_58 : memref<640x128xf32, #tpu.memory_space<hbm>>) target_semaphore(%run_scoped3A : memref<!tpu.dma_semaphore, #tpu.memory_space<semaphore_mem>>)
      %dma_wait3A = arith.constant 0 : i32
      %dma_wait3A_61 = tpu.memref_slice %arg5[%arg0, %multiple_of3A_56, %dma_wait3A] : memref<2x10240x128xf32, #tpu.memory_space<hbm>> -> memref<1x640x128xf32, #tpu.memory_space<hbm>>
      %dma_wait3A_62 = tpu.memref_squeeze %dma_wait3A_61 : memref<1x640x128xf32, #tpu.memory_space<hbm>> -> memref<640x128xf32, #tpu.memory_space<hbm>>
      %dma_wait3A_63 = arith.constant 0 : i32
      %dma_wait3A_64 = tpu.memref_slice %arg9[%multiple_of3A_56, %dma_wait3A_63] : memref<10240x128xf32, #tpu.memory_space<vmem_shared>> -> memref<640x128xf32, #tpu.memory_space<vmem_shared>>
      tpu.wait_dma2 semaphore(%run_scoped3A : memref<!tpu.dma_semaphore, #tpu.memory_space<semaphore_mem>>) src(%dma_wait3A_64 : memref<640x128xf32, #tpu.memory_space<vmem_shared>>) dst(%dma_wait3A_62 : memref<640x128xf32, #tpu.memory_space<hbm>>)
      tpu.yield
    }) : () -> ()
    return
  }
}

module attributes {stable_mosaic.version = 14 : i64} {
  func.func @_proj_body(%arg0: i32, %arg1: memref<1000x128xf32, #tpu.memory_space<vmem>>, %arg2: memref<128x128xf32, #tpu.memory_space<vmem>>, %arg3: memref<1000x32xf32, #tpu.memory_space<vmem>>, %arg4: memref<1000x128xf32, #tpu.memory_space<vmem>>) attributes {dimension_semantics = [#tpu.dimension_semantics<arbitrary>], iteration_bounds = array<i64: 10>, scalar_prefetch = 0 : i64, scratch_operands = 0 : i64, tpu.core_type = #tpu.core_type<tc>, window_params = [{transform_indices = @transform_0, window_bounds = array<i64: 1000, 128>}, {pipeline_mode = #tpu.pipeline_mode<synchronous>, transform_indices = @transform_1, window_bounds = array<i64: 128, 128>}, {transform_indices = @transform_2, window_bounds = array<i64: 1000, 32>}, {transform_indices = @transform_3, window_bounds = array<i64: 1000, 128>}]} {
    %get3A = arith.constant 0 : index
    %get3A_0 = arith.constant 0 : index
    %get3A_1 = vector.load %arg3[%get3A, %get3A_0] : memref<1000x32xf32, #tpu.memory_space<vmem>>, vector<1000x32xf32>
    %reduce_sum3A = arith.constant dense<0.000000e+00> : vector<1000xf32>
    %reduce_sum3A_2 = vector.multi_reduction <add>, %get3A_1, %reduce_sum3A [1] : vector<1000x32xf32> to vector<1000xf32>
    %add3A = arith.constant 1.000000e+00 : f32
    %add3A_3 = vector.broadcast %add3A : f32 to vector<1000xf32>
    %add3A_4 = arith.addf %reduce_sum3A_2, %add3A_3 : vector<1000xf32>
    %rsqrt3A = math.rsqrt %add3A_4 : vector<1000xf32>
    %get3A_5 = arith.constant 0 : index
    %get3A_6 = arith.constant 0 : index
    %get3A_7 = vector.load %arg1[%get3A_5, %get3A_6] : memref<1000x128xf32, #tpu.memory_space<vmem>>, vector<1000x128xf32>
    %get3A_8 = arith.constant 0 : index
    %get3A_9 = arith.constant 0 : index
    %get3A_10 = vector.load %arg2[%get3A_8, %get3A_9] : memref<128x128xf32, #tpu.memory_space<vmem>>, vector<128x128xf32>
    %dot_general3A = arith.constant dense<0.000000e+00> : vector<1000x128xf32>
    %dot_general3A_11 = tpu.matmul %get3A_7, %get3A_10, %dot_general3A {dimension_numbers = #tpu.dot_dimension_numbers<[1], [0], [0], [1], [0, 0, 1, 1], [], []>, transpose_lhs_hint = false} : vector<1000x128xf32>, vector<128x128xf32>, vector<1000x128xf32> -> vector<1000x128xf32>
    %broadcast_in_dim3A = vector.shape_cast %rsqrt3A : vector<1000xf32> to vector<1000x1xf32>
    %mul3A = vector.broadcast %broadcast_in_dim3A : vector<1000x1xf32> to vector<1000x128xf32>
    %mul3A_12 = arith.mulf %dot_general3A_11, %mul3A : vector<1000x128xf32>
    %swap3A = arith.constant 0 : index
    %swap3A_13 = arith.constant 0 : index
    %swap3A_14 = vector.load %arg4[%swap3A, %swap3A_13] : memref<1000x128xf32, #tpu.memory_space<vmem>>, vector<1000x128xf32>
    tpu.vector_store %arg4[%swap3A, %swap3A_13], %mul3A_12 {strides = array<i32>} : memref<1000x128xf32, #tpu.memory_space<vmem>>, vector<1000x128xf32>,
    return
  }
  func.func @transform_0(%arg0: i32) -> (i32, i32) {
    %c0_i32 = arith.constant 0 : i32
    %c0_i32_0 = arith.constant 0 : i32
    return %arg0, %c0_i32 : i32, i32
  }
  func.func @transform_1(%arg0: i32) -> (i32, i32) {
    %c0_i32 = arith.constant 0 : i32
    %c0_i32_0 = arith.constant 0 : i32
    %c0_i32_1 = arith.constant 0 : i32
    return %c0_i32, %c0_i32_0 : i32, i32
  }
  func.func @transform_2(%arg0: i32) -> (i32, i32) {
    %c0_i32 = arith.constant 0 : i32
    %c0_i32_0 = arith.constant 0 : i32
    return %arg0, %c0_i32 : i32, i32
  }
  func.func @transform_3(%arg0: i32) -> (i32, i32) {
    %c0_i32 = arith.constant 0 : i32
    %c0_i32_0 = arith.constant 0 : i32
    return %arg0, %c0_i32 : i32, i32
  }
}

module attributes {stable_mosaic.version = 14 : i64} {
  func.func @_epi_body(%arg0: i32, %arg1: memref<2x1000x128xf32, #tpu.memory_space<vmem>>, %arg2: memref<1000x128xf32, #tpu.memory_space<vmem>>, %arg3: memref<1000x128xf32, #tpu.memory_space<vmem>>, %arg4: memref<1000x32xf32, #tpu.memory_space<vmem>>, %arg5: memref<1x128xf32, #tpu.memory_space<vmem>>, %arg6: memref<256x32xf32, #tpu.memory_space<vmem>>, %arg7: memref<1000x32xf32, #tpu.memory_space<vmem>>, %arg8: memref<1000x32xf32, #tpu.memory_space<vmem>>) attributes {dimension_semantics = [#tpu.dimension_semantics<arbitrary>], iteration_bounds = array<i64: 10>, scalar_prefetch = 0 : i64, scratch_operands = 0 : i64, tpu.core_type = #tpu.core_type<tc>, window_params = [{transform_indices = @transform_0, window_bounds = array<i64: 2, 1000, 128>}, {transform_indices = @transform_1, window_bounds = array<i64: 1000, 128>}, {transform_indices = @transform_2, window_bounds = array<i64: 1000, 128>}, {transform_indices = @transform_3, window_bounds = array<i64: 1000, 32>}, {pipeline_mode = #tpu.pipeline_mode<synchronous>, transform_indices = @transform_4, window_bounds = array<i64: 1, 128>}, {pipeline_mode = #tpu.pipeline_mode<synchronous>, transform_indices = @transform_5, window_bounds = array<i64: 256, 32>}, {transform_indices = @transform_6, window_bounds = array<i64: 1000, 32>}, {transform_indices = @transform_7, window_bounds = array<i64: 1000, 32>}]} {
    %get3A = arith.constant 0 : index
    %get3A_0 = arith.constant 0 : index
    %get3A_1 = vector.load %arg4[%get3A, %get3A_0] : memref<1000x32xf32, #tpu.memory_space<vmem>>, vector<1000x32xf32>
    %reduce_sum3A = arith.constant dense<0.000000e+00> : vector<1000xf32>
    %reduce_sum3A_2 = vector.multi_reduction <add>, %get3A_1, %reduce_sum3A [1] : vector<1000x32xf32> to vector<1000xf32>
    %add3A = arith.constant 1.000000e+00 : f32
    %add3A_3 = vector.broadcast %add3A : f32 to vector<1000xf32>
    %add3A_4 = arith.addf %reduce_sum3A_2, %add3A_3 : vector<1000xf32>
    %rsqrt3A = math.rsqrt %add3A_4 : vector<1000xf32>
    %get3A_5 = arith.constant 0 : index
    %get3A_6 = arith.constant 0 : index
    %get3A_7 = arith.constant 0 : index
    %get3A_8 = vector.load %arg1[%get3A_5, %get3A_6, %get3A_7] : memref<2x1000x128xf32, #tpu.memory_space<vmem>>, vector<1x1000x128xf32>
    %get3A_9 = vector.shape_cast %get3A_8 : vector<1x1000x128xf32> to vector<1000x128xf32>
    %get3A_10 = arith.constant 1 : index
    %get3A_11 = arith.constant 0 : index
    %get3A_12 = arith.constant 0 : index
    %get3A_13 = vector.load %arg1[%get3A_10, %get3A_11, %get3A_12] : memref<2x1000x128xf32, #tpu.memory_space<vmem>>, vector<1x1000x128xf32>
    %get3A_14 = vector.shape_cast %get3A_13 : vector<1x1000x128xf32> to vector<1000x128xf32>
    %add3A_15 = arith.addf %get3A_9, %get3A_14 : vector<1000x128xf32>
    %get3A_16 = arith.constant 0 : index
    %get3A_17 = arith.constant 0 : index
    %get3A_18 = vector.load %arg2[%get3A_16, %get3A_17] : memref<1000x128xf32, #tpu.memory_space<vmem>>, vector<1000x128xf32>
    %add3A_19 = arith.addf %add3A_15, %get3A_18 : vector<1000x128xf32>
    %broadcast_in_dim3A = vector.shape_cast %rsqrt3A : vector<1000xf32> to vector<1000x1xf32>
    %mul3A = vector.broadcast %broadcast_in_dim3A : vector<1000x1xf32> to vector<1000x128xf32>
    %mul3A_20 = arith.mulf %add3A_19, %mul3A : vector<1000x128xf32>
    %get3A_21 = arith.constant 0 : index
    %get3A_22 = arith.constant 0 : index
    %get3A_23 = vector.load %arg5[%get3A_21, %get3A_22] : memref<1x128xf32, #tpu.memory_space<vmem>>, vector<1x128xf32>
    %add3A_24 = vector.broadcast %get3A_23 : vector<1x128xf32> to vector<1000x128xf32>
    %add3A_25 = arith.addf %mul3A_20, %add3A_24 : vector<1000x128xf32>
    %max3A = arith.constant 0.000000e+00 : f32
    %max3A_26 = vector.broadcast %max3A : f32 to vector<1000x128xf32>
    %max3A_27 = arith.maximumf %add3A_25, %max3A_26 : vector<1000x128xf32>
    %get3A_28 = arith.constant 0 : index
    %get3A_29 = arith.constant 0 : index
    %get3A_30 = vector.load %arg3[%get3A_28, %get3A_29] : memref<1000x128xf32, #tpu.memory_space<vmem>>, vector<1000x128xf32>
    %add3A_31 = arith.addf %max3A_27, %get3A_30 : vector<1000x128xf32>
    %get3A_32 = arith.constant 0 : index
    %get3A_33 = arith.constant 0 : index
    %get3A_34 = vector.load %arg6[%get3A_32, %get3A_33] : memref<256x32xf32, #tpu.memory_space<vmem>>, vector<128x32xf32>
    %dot_general3A = arith.constant dense<0.000000e+00> : vector<1000x32xf32>
    %dot_general3A_35 = tpu.matmul %add3A_31, %get3A_34, %dot_general3A {dimension_numbers = #tpu.dot_dimension_numbers<[1], [0], [0], [1], [0, 0, 1, 1], [], []>, transpose_lhs_hint = false} : vector<1000x128xf32>, vector<128x32xf32>, vector<1000x32xf32> -> vector<1000x32xf32>
    %swap3A = arith.constant 0 : index
    %swap3A_36 = arith.constant 0 : index
    %swap3A_37 = vector.load %arg7[%swap3A, %swap3A_36] : memref<1000x32xf32, #tpu.memory_space<vmem>>, vector<1000x32xf32>
    tpu.vector_store %arg7[%swap3A, %swap3A_36], %dot_general3A_35 {strides = array<i32>} : memref<1000x32xf32, #tpu.memory_space<vmem>>, vector<1000x32xf32>,
    %get3A_38 = arith.constant 128 : index
    %get3A_39 = arith.constant 0 : index
    %get3A_40 = vector.load %arg6[%get3A_38, %get3A_39] : memref<256x32xf32, #tpu.memory_space<vmem>>, vector<128x32xf32>
    %dot_general3A_41 = arith.constant dense<0.000000e+00> : vector<1000x32xf32>
    %dot_general3A_42 = tpu.matmul %add3A_31, %get3A_40, %dot_general3A_41 {dimension_numbers = #tpu.dot_dimension_numbers<[1], [0], [0], [1], [0, 0, 1, 1], [], []>, transpose_lhs_hint = false} : vector<1000x128xf32>, vector<128x32xf32>, vector<1000x32xf32> -> vector<1000x32xf32>
    %swap3A_43 = arith.constant 0 : index
    %swap3A_44 = arith.constant 0 : index
    %swap3A_45 = vector.load %arg8[%swap3A_43, %swap3A_44] : memref<1000x32xf32, #tpu.memory_space<vmem>>, vector<1000x32xf32>
    tpu.vector_store %arg8[%swap3A_43, %swap3A_44], %dot_general3A_42 {strides = array<i32>} : memref<1000x32xf32, #tpu.memory_space<vmem>>, vector<1000x32xf32>,
    return
  }
  func.func @transform_0(%arg0: i32) -> (i32, i32, i32) {
    %c0_i32 = arith.constant 0 : i32
    %c0_i32_0 = arith.constant 0 : i32
    %c0_i32_1 = arith.constant 0 : i32
    return %c0_i32, %arg0, %c0_i32_0 : i32, i32, i32
  }
  func.func @transform_1(%arg0: i32) -> (i32, i32) {
    %c0_i32 = arith.constant 0 : i32
    %c0_i32_0 = arith.constant 0 : i32
    return %arg0, %c0_i32 : i32, i32
  }
  func.func @transform_2(%arg0: i32) -> (i32, i32) {
    %c0_i32 = arith.constant 0 : i32
    %c0_i32_0 = arith.constant 0 : i32
    return %arg0, %c0_i32 : i32, i32
  }
  func.func @transform_3(%arg0: i32) -> (i32, i32) {
    %c0_i32 = arith.constant 0 : i32
    %c0_i32_0 = arith.constant 0 : i32
    return %arg0, %c0_i32 : i32, i32
  }
  func.func @transform_4(%arg0: i32) -> (i32, i32) {
    %c0_i32 = arith.constant 0 : i32
    %c0_i32_0 = arith.constant 0 : i32
    %c0_i32_1 = arith.constant 0 : i32
    return %c0_i32, %c0_i32_0 : i32, i32
  }
  func.func @transform_5(%arg0: i32) -> (i32, i32) {
    %c0_i32 = arith.constant 0 : i32
    %c0_i32_0 = arith.constant 0 : i32
    %c0_i32_1 = arith.constant 0 : i32
    return %c0_i32, %c0_i32_0 : i32, i32
  }
  func.func @transform_6(%arg0: i32) -> (i32, i32) {
    %c0_i32 = arith.constant 0 : i32
    %c0_i32_0 = arith.constant 0 : i32
    return %arg0, %c0_i32 : i32, i32
  }
  func.func @transform_7(%arg0: i32) -> (i32, i32) {
    %c0_i32 = arith.constant 0 : i32
    %c0_i32_0 = arith.constant 0 : i32
    return %arg0, %c0_i32 : i32, i32
  }
}

module attributes {stable_mosaic.version = 14 : i64} {
  func.func @_head_body(%arg0: memref<500x640xf32, #tpu.memory_space<vmem>>, %arg1: memref<500x640xf32, #tpu.memory_space<vmem>>, %arg2: memref<40x2xi32, #tpu.memory_space<vmem>>, %arg3: memref<1x32xf32, #tpu.memory_space<vmem>>, %arg4: memref<32x32xf32, #tpu.memory_space<vmem>>, %arg5: memref<1x32xf32, #tpu.memory_space<vmem>>, %arg6: memref<32x1xf32, #tpu.memory_space<vmem>>, %arg7: memref<1x1xf32, #tpu.memory_space<vmem>>, %arg8: memref<20000x1xf32, #tpu.memory_space<vmem>>) attributes {dimension_semantics = [], scalar_prefetch = 0 : i64, scratch_operands = 0 : i64, tpu.core_type = #tpu.core_type<tc>} {
    %get3A = arith.constant 0 : index
    %get3A_0 = arith.constant 0 : index
    %get3A_1 = vector.load %arg2[%get3A, %get3A_0] : memref<40x2xi32, #tpu.memory_space<vmem>>, vector<40x1xi32>
    %get3A_2 = vector.shape_cast %get3A_1 : vector<40x1xi32> to vector<40xi32>
    %convert_element_type3A = arith.sitofp %get3A_2 : vector<40xi32> to vector<40xf32>
    %get3A_3 = arith.constant 0 : index
    %get3A_4 = arith.constant 1 : index
    %get3A_5 = vector.load %arg2[%get3A_3, %get3A_4] : memref<40x2xi32, #tpu.memory_space<vmem>>, vector<40x1xi32>
    %get3A_6 = vector.shape_cast %get3A_5 : vector<40x1xi32> to vector<40xi32>
    %convert_element_type3A_7 = arith.sitofp %get3A_6 : vector<40xi32> to vector<40xf32>
    %iota3A = tpu.iota {dimensions = array<i32: 1>} : vector<40x1280xi32>
    %jit3A = arith.constant 32 : i32
    %div3A = vector.broadcast %jit3A : i32 to vector<40x1280xi32>
    %div3A_8 = arith.divsi %iota3A, %div3A : vector<40x1280xi32>
    %sign3A = arith.constant 0 : i32
    %sign3A_9 = vector.broadcast %sign3A : i32 to vector<40x1280xi32>
    %sign3A_10 = arith.cmpi sgt, %iota3A, %sign3A_9 : vector<40x1280xi32>
    %sign3A_11 = arith.extui %sign3A_10 : vector<40x1280xi1> to vector<40x1280xi32>
    %sign3A_12 = arith.constant 0 : i32
    %sign3A_13 = vector.broadcast %sign3A_12 : i32 to vector<40x1280xi32>
    %sign3A_14 = arith.cmpi slt, %iota3A, %sign3A_13 : vector<40x1280xi32>
    %sign3A_15 = arith.extui %sign3A_14 : vector<40x1280xi1> to vector<40x1280xi32>
    %sign3A_16 = arith.subi %sign3A_11, %sign3A_15 : vector<40x1280xi32>
    %sign3A_17 = arith.constant 0 : i32
    %sign3A_18 = arith.cmpi sgt, %jit3A, %sign3A_17 : i32
    %sign3A_19 = arith.extui %sign3A_18 : i1 to i32
    %sign3A_20 = arith.constant 0 : i32
    %sign3A_21 = arith.cmpi slt, %jit3A, %sign3A_20 : i32
    %sign3A_22 = arith.extui %sign3A_21 : i1 to i32
    %sign3A_23 = arith.subi %sign3A_19, %sign3A_22 : i32
    %ne3A = vector.broadcast %sign3A_23 : i32 to vector<40x1280xi32>
    %ne3A_24 = arith.cmpi ne, %sign3A_16, %ne3A : vector<40x1280xi32>
    %rem3A = vector.broadcast %jit3A : i32 to vector<40x1280xi32>
    %rem3A_25 = arith.remsi %iota3A, %rem3A : vector<40x1280xi32>
    %ne3A_26 = arith.constant 0 : i32
    %ne3A_27 = vector.broadcast %ne3A_26 : i32 to vector<40x1280xi32>
    %ne3A_28 = arith.cmpi ne, %rem3A_25, %ne3A_27 : vector<40x1280xi32>
    %and3A = arith.andi %ne3A_24, %ne3A_28 : vector<40x1280xi1>
    %sub3A = arith.constant 1 : i32
    %sub3A_29 = vector.broadcast %sub3A : i32 to vector<40x1280xi32>
    %sub3A_30 = arith.subi %div3A_8, %sub3A_29 : vector<40x1280xi32>
    %select_n3A = arith.select %and3A, %sub3A_30, %div3A_8 : vector<40x1280xi1>, vector<40x1280xi32>
    %iota3A_31 = tpu.iota {dimensions = array<i32: 0>} : vector<40x1280xi32>
    %eq3A = arith.cmpi eq, %select_n3A, %iota3A_31 : vector<40x1280xi32>
    %convert_element_type3A_32 = arith.extui %eq3A : vector<40x1280xi1> to vector<40x1280xi32>
    %convert_element_type3A_33 = arith.sitofp %convert_element_type3A_32 : vector<40x1280xi32> to vector<40x1280xf32>
    %broadcast_in_dim3A = vector.shape_cast %convert_element_type3A : vector<40xf32> to vector<1x40xf32>
    %dot_general3A = arith.constant dense<0.000000e+00> : vector<1x1280xf32>
    %dot_general3A_34 = tpu.matmul %broadcast_in_dim3A, %convert_element_type3A_33, %dot_general3A {dimension_numbers = #tpu.dot_dimension_numbers<[1], [0], [0], [1], [0, 0, 1, 1], [], []>, transpose_lhs_hint = false} : vector<1x40xf32>, vector<40x1280xf32>, vector<1x1280xf32> -> vector<1x1280xf32>
    %broadcast_in_dim3A_35 = vector.shape_cast %convert_element_type3A_7 : vector<40xf32> to vector<1x40xf32>
    %dot_general3A_36 = arith.constant dense<0.000000e+00> : vector<1x1280xf32>
    %dot_general3A_37 = tpu.matmul %broadcast_in_dim3A_35, %convert_element_type3A_33, %dot_general3A_36 {dimension_numbers = #tpu.dot_dimension_numbers<[1], [0], [0], [1], [0, 0, 1, 1], [], []>, transpose_lhs_hint = false} : vector<1x40xf32>, vector<40x1280xf32>, vector<1x1280xf32> -> vector<1x1280xf32>
    %iota3A_38 = tpu.iota {dimensions = array<i32: 0>} : vector<640x1280xi32>
    %iota3A_39 = tpu.iota {dimensions = array<i32: 1>} : vector<640x1280xi32>
    %jit3A_40 = arith.constant 32 : i32
    %eq3A_41 = arith.constant 0 : i32
    %eq3A_42 = arith.cmpi eq, %jit3A_40, %eq3A_41 : i32
    %jit3A_43 = arith.constant 1 : i32
    %select_n3A_44 = arith.select %eq3A_42, %jit3A_43, %jit3A_40 : i32
    %rem3A_45 = vector.broadcast %select_n3A_44 : i32 to vector<640x1280xi32>
    %rem3A_46 = arith.remsi %iota3A_38, %rem3A_45 : vector<640x1280xi32>
    %ne3A_47 = arith.constant 0 : i32
    %ne3A_48 = vector.broadcast %ne3A_47 : i32 to vector<640x1280xi32>
    %ne3A_49 = arith.cmpi ne, %rem3A_46, %ne3A_48 : vector<640x1280xi32>
    %lt3A = arith.constant 0 : i32
    %lt3A_50 = vector.broadcast %lt3A : i32 to vector<640x1280xi32>
    %lt3A_51 = arith.cmpi slt, %rem3A_46, %lt3A_50 : vector<640x1280xi32>
    %lt3A_52 = arith.constant 0 : i32
    %lt3A_53 = arith.cmpi slt, %select_n3A_44, %lt3A_52 : i32
    %ne3A_54 = vector.broadcast %lt3A_53 : i1 to vector<640x1280xi1>
    %ne3A_55 = vector.broadcast %ne3A_54 : vector<640x1280xi1> to vector<640x1280xi1>
    %ne3A_56 = arith.xori %lt3A_51, %ne3A_55 : vector<640x1280xi1>
    %and3A_57 = arith.andi %ne3A_56, %ne3A_49 : vector<640x1280xi1>
    %add3A = vector.broadcast %select_n3A_44 : i32 to vector<640x1280xi32>
    %add3A_58 = arith.addi %rem3A_46, %add3A : vector<640x1280xi32>
    %select_n3A_59 = arith.select %and3A_57, %add3A_58, %rem3A_46 : vector<640x1280xi1>, vector<640x1280xi32>
    %jit3A_60 = arith.constant 32 : i32
    %eq3A_61 = arith.constant 0 : i32
    %eq3A_62 = arith.cmpi eq, %jit3A_60, %eq3A_61 : i32
    %jit3A_63 = arith.constant 1 : i32
    %select_n3A_64 = arith.select %eq3A_62, %jit3A_63, %jit3A_60 : i32
    %rem3A_65 = vector.broadcast %select_n3A_64 : i32 to vector<640x1280xi32>
    %rem3A_66 = arith.remsi %iota3A_39, %rem3A_65 : vector<640x1280xi32>
    %ne3A_67 = arith.constant 0 : i32
    %ne3A_68 = vector.broadcast %ne3A_67 : i32 to vector<640x1280xi32>
    %ne3A_69 = arith.cmpi ne, %rem3A_66, %ne3A_68 : vector<640x1280xi32>
    %lt3A_70 = arith.constant 0 : i32
    %lt3A_71 = vector.broadcast %lt3A_70 : i32 to vector<640x1280xi32>
    %lt3A_72 = arith.cmpi slt, %rem3A_66, %lt3A_71 : vector<640x1280xi32>
    %lt3A_73 = arith.constant 0 : i32
    %lt3A_74 = arith.cmpi slt, %select_n3A_64, %lt3A_73 : i32
    %ne3A_75 = vector.broadcast %lt3A_74 : i1 to vector<640x1280xi1>
    %ne3A_76 = vector.broadcast %ne3A_75 : vector<640x1280xi1> to vector<640x1280xi1>
    %ne3A_77 = arith.xori %lt3A_72, %ne3A_76 : vector<640x1280xi1>
    %and3A_78 = arith.andi %ne3A_77, %ne3A_69 : vector<640x1280xi1>
    %add3A_79 = vector.broadcast %select_n3A_64 : i32 to vector<640x1280xi32>
    %add3A_80 = arith.addi %rem3A_66, %add3A_79 : vector<640x1280xi32>
    %select_n3A_81 = arith.select %and3A_78, %add3A_80, %rem3A_66 : vector<640x1280xi1>, vector<640x1280xi32>
    %eq3A_82 = arith.cmpi eq, %select_n3A_59, %select_n3A_81 : vector<640x1280xi32>
    %jit3A_83 = arith.constant 32 : i32
    %div3A_84 = vector.broadcast %jit3A_83 : i32 to vector<640x1280xi32>
    %div3A_85 = arith.divsi %iota3A_38, %div3A_84 : vector<640x1280xi32>
    %sign3A_86 = arith.constant 0 : i32
    %sign3A_87 = vector.broadcast %sign3A_86 : i32 to vector<640x1280xi32>
    %sign3A_88 = arith.cmpi sgt, %iota3A_38, %sign3A_87 : vector<640x1280xi32>
    %sign3A_89 = arith.extui %sign3A_88 : vector<640x1280xi1> to vector<640x1280xi32>
    %sign3A_90 = arith.constant 0 : i32
    %sign3A_91 = vector.broadcast %sign3A_90 : i32 to vector<640x1280xi32>
    %sign3A_92 = arith.cmpi slt, %iota3A_38, %sign3A_91 : vector<640x1280xi32>
    %sign3A_93 = arith.extui %sign3A_92 : vector<640x1280xi1> to vector<640x1280xi32>
    %sign3A_94 = arith.subi %sign3A_89, %sign3A_93 : vector<640x1280xi32>
    %sign3A_95 = arith.constant 0 : i32
    %sign3A_96 = arith.cmpi sgt, %jit3A_83, %sign3A_95 : i32
    %sign3A_97 = arith.extui %sign3A_96 : i1 to i32
    %sign3A_98 = arith.constant 0 : i32
    %sign3A_99 = arith.cmpi slt, %jit3A_83, %sign3A_98 : i32
    %sign3A_100 = arith.extui %sign3A_99 : i1 to i32
    %sign3A_101 = arith.subi %sign3A_97, %sign3A_100 : i32
    %ne3A_102 = vector.broadcast %sign3A_101 : i32 to vector<640x1280xi32>
    %ne3A_103 = arith.cmpi ne, %sign3A_94, %ne3A_102 : vector<640x1280xi32>
    %rem3A_104 = vector.broadcast %jit3A_83 : i32 to vector<640x1280xi32>
    %rem3A_105 = arith.remsi %iota3A_38, %rem3A_104 : vector<640x1280xi32>
    %ne3A_106 = arith.constant 0 : i32
    %ne3A_107 = vector.broadcast %ne3A_106 : i32 to vector<640x1280xi32>
    %ne3A_108 = arith.cmpi ne, %rem3A_105, %ne3A_107 : vector<640x1280xi32>
    %and3A_109 = arith.andi %ne3A_103, %ne3A_108 : vector<640x1280xi1>
    %sub3A_110 = arith.constant 1 : i32
    %sub3A_111 = vector.broadcast %sub3A_110 : i32 to vector<640x1280xi32>
    %sub3A_112 = arith.subi %div3A_85, %sub3A_111 : vector<640x1280xi32>
    %select_n3A_113 = arith.select %and3A_109, %sub3A_112, %div3A_85 : vector<640x1280xi1>, vector<640x1280xi32>
    %convert_element_type3A_114 = arith.sitofp %select_n3A_113 : vector<640x1280xi32> to vector<640x1280xf32>
    %eq3A_115 = vector.broadcast %dot_general3A_34 : vector<1x1280xf32> to vector<640x1280xf32>
    %eq3A_116 = arith.cmpf oeq, %eq3A_115, %convert_element_type3A_114 : vector<640x1280xf32>
    %and3A_117 = arith.andi %eq3A_82, %eq3A_116 : vector<640x1280xi1>
    %jit3A_118 = arith.constant 1.000000e+00 : f32
    %jit3A_119 = arith.constant 0.000000e+00 : f32
    %broadcast_in_dim3A_120 = vector.broadcast %jit3A_118 : f32 to vector<640x1280xf32>
    %broadcast_in_dim3A_121 = vector.broadcast %jit3A_119 : f32 to vector<640x1280xf32>
    %select_n3A_122 = arith.select %and3A_117, %broadcast_in_dim3A_120, %broadcast_in_dim3A_121 : vector<640x1280xi1>, vector<640x1280xf32>
    %eq3A_123 = vector.broadcast %dot_general3A_37 : vector<1x1280xf32> to vector<640x1280xf32>
    %eq3A_124 = arith.cmpf oeq, %eq3A_123, %convert_element_type3A_114 : vector<640x1280xf32>
    %and3A_125 = arith.andi %eq3A_82, %eq3A_124 : vector<640x1280xi1>
    %jit3A_126 = arith.constant 1.000000e+00 : f32
    %jit3A_127 = arith.constant 0.000000e+00 : f32
    %broadcast_in_dim3A_128 = vector.broadcast %jit3A_126 : f32 to vector<640x1280xf32>
    %broadcast_in_dim3A_129 = vector.broadcast %jit3A_127 : f32 to vector<640x1280xf32>
    %select_n3A_130 = arith.select %and3A_125, %broadcast_in_dim3A_128, %broadcast_in_dim3A_129 : vector<640x1280xi1>, vector<640x1280xf32>
    %get3A_131 = arith.constant 0 : index
    %get3A_132 = arith.constant 0 : index
    %get3A_133 = vector.load %arg0[%get3A_131, %get3A_132] : memref<500x640xf32, #tpu.memory_space<vmem>>, vector<500x640xf32>
    %dot_general3A_134 = arith.constant dense<0.000000e+00> : vector<500x1280xf32>
    %dot_general3A_135 = tpu.matmul %get3A_133, %select_n3A_122, %dot_general3A_134 {dimension_numbers = #tpu.dot_dimension_numbers<[1], [0], [0], [1], [0, 0, 1, 1], [], []>, transpose_lhs_hint = false} : vector<500x640xf32>, vector<640x1280xf32>, vector<500x1280xf32> -> vector<500x1280xf32>
    %get3A_136 = arith.constant 0 : index
    %get3A_137 = arith.constant 0 : index
    %get3A_138 = vector.load %arg1[%get3A_136, %get3A_137] : memref<500x640xf32, #tpu.memory_space<vmem>>, vector<500x640xf32>
    %dot_general3A_139 = arith.constant dense<0.000000e+00> : vector<500x1280xf32>
    %dot_general3A_140 = tpu.matmul %get3A_138, %select_n3A_130, %dot_general3A_139 {dimension_numbers = #tpu.dot_dimension_numbers<[1], [0], [0], [1], [0, 0, 1, 1], [], []>, transpose_lhs_hint = false} : vector<500x640xf32>, vector<640x1280xf32>, vector<500x1280xf32> -> vector<500x1280xf32>
    %add3A_141 = arith.addf %dot_general3A_135, %dot_general3A_140 : vector<500x1280xf32>
    %slice3A = vector.extract_strided_slice %add3A_141 {offsets = [0, 0], sizes = [500, 32], strides = [1, 1]} : vector<500x1280xf32> to vector<500x32xf32>
    %slice3A_142 = vector.extract_strided_slice %add3A_141 {offsets = [0, 32], sizes = [500, 32], strides = [1, 1]} : vector<500x1280xf32> to vector<500x32xf32>
    %slice3A_143 = vector.extract_strided_slice %add3A_141 {offsets = [0, 64], sizes = [500, 32], strides = [1, 1]} : vector<500x1280xf32> to vector<500x32xf32>
    %slice3A_144 = vector.extract_strided_slice %add3A_141 {offsets = [0, 96], sizes = [500, 32], strides = [1, 1]} : vector<500x1280xf32> to vector<500x32xf32>
    %slice3A_145 = vector.extract_strided_slice %add3A_141 {offsets = [0, 128], sizes = [500, 32], strides = [1, 1]} : vector<500x1280xf32> to vector<500x32xf32>
    %slice3A_146 = vector.extract_strided_slice %add3A_141 {offsets = [0, 160], sizes = [500, 32], strides = [1, 1]} : vector<500x1280xf32> to vector<500x32xf32>
    %slice3A_147 = vector.extract_strided_slice %add3A_141 {offsets = [0, 192], sizes = [500, 32], strides = [1, 1]} : vector<500x1280xf32> to vector<500x32xf32>
    %slice3A_148 = vector.extract_strided_slice %add3A_141 {offsets = [0, 224], sizes = [500, 32], strides = [1, 1]} : vector<500x1280xf32> to vector<500x32xf32>
    %slice3A_149 = vector.extract_strided_slice %add3A_141 {offsets = [0, 256], sizes = [500, 32], strides = [1, 1]} : vector<500x1280xf32> to vector<500x32xf32>
    %slice3A_150 = vector.extract_strided_slice %add3A_141 {offsets = [0, 288], sizes = [500, 32], strides = [1, 1]} : vector<500x1280xf32> to vector<500x32xf32>
    %slice3A_151 = vector.extract_strided_slice %add3A_141 {offsets = [0, 320], sizes = [500, 32], strides = [1, 1]} : vector<500x1280xf32> to vector<500x32xf32>
    %slice3A_152 = vector.extract_strided_slice %add3A_141 {offsets = [0, 352], sizes = [500, 32], strides = [1, 1]} : vector<500x1280xf32> to vector<500x32xf32>
    %slice3A_153 = vector.extract_strided_slice %add3A_141 {offsets = [0, 384], sizes = [500, 32], strides = [1, 1]} : vector<500x1280xf32> to vector<500x32xf32>
    %slice3A_154 = vector.extract_strided_slice %add3A_141 {offsets = [0, 416], sizes = [500, 32], strides = [1, 1]} : vector<500x1280xf32> to vector<500x32xf32>
    %slice3A_155 = vector.extract_strided_slice %add3A_141 {offsets = [0, 448], sizes = [500, 32], strides = [1, 1]} : vector<500x1280xf32> to vector<500x32xf32>
    %slice3A_156 = vector.extract_strided_slice %add3A_141 {offsets = [0, 480], sizes = [500, 32], strides = [1, 1]} : vector<500x1280xf32> to vector<500x32xf32>
    %slice3A_157 = vector.extract_strided_slice %add3A_141 {offsets = [0, 512], sizes = [500, 32], strides = [1, 1]} : vector<500x1280xf32> to vector<500x32xf32>
    %slice3A_158 = vector.extract_strided_slice %add3A_141 {offsets = [0, 544], sizes = [500, 32], strides = [1, 1]} : vector<500x1280xf32> to vector<500x32xf32>
    %slice3A_159 = vector.extract_strided_slice %add3A_141 {offsets = [0, 576], sizes = [500, 32], strides = [1, 1]} : vector<500x1280xf32> to vector<500x32xf32>
    %slice3A_160 = vector.extract_strided_slice %add3A_141 {offsets = [0, 608], sizes = [500, 32], strides = [1, 1]} : vector<500x1280xf32> to vector<500x32xf32>
    %slice3A_161 = vector.extract_strided_slice %add3A_141 {offsets = [0, 640], sizes = [500, 32], strides = [1, 1]} : vector<500x1280xf32> to vector<500x32xf32>
    %slice3A_162 = vector.extract_strided_slice %add3A_141 {offsets = [0, 672], sizes = [500, 32], strides = [1, 1]} : vector<500x1280xf32> to vector<500x32xf32>
    %slice3A_163 = vector.extract_strided_slice %add3A_141 {offsets = [0, 704], sizes = [500, 32], strides = [1, 1]} : vector<500x1280xf32> to vector<500x32xf32>
    %slice3A_164 = vector.extract_strided_slice %add3A_141 {offsets = [0, 736], sizes = [500, 32], strides = [1, 1]} : vector<500x1280xf32> to vector<500x32xf32>
    %slice3A_165 = vector.extract_strided_slice %add3A_141 {offsets = [0, 768], sizes = [500, 32], strides = [1, 1]} : vector<500x1280xf32> to vector<500x32xf32>
    %slice3A_166 = vector.extract_strided_slice %add3A_141 {offsets = [0, 800], sizes = [500, 32], strides = [1, 1]} : vector<500x1280xf32> to vector<500x32xf32>
    %slice3A_167 = vector.extract_strided_slice %add3A_141 {offsets = [0, 832], sizes = [500, 32], strides = [1, 1]} : vector<500x1280xf32> to vector<500x32xf32>
    %slice3A_168 = vector.extract_strided_slice %add3A_141 {offsets = [0, 864], sizes = [500, 32], strides = [1, 1]} : vector<500x1280xf32> to vector<500x32xf32>
    %slice3A_169 = vector.extract_strided_slice %add3A_141 {offsets = [0, 896], sizes = [500, 32], strides = [1, 1]} : vector<500x1280xf32> to vector<500x32xf32>
    %slice3A_170 = vector.extract_strided_slice %add3A_141 {offsets = [0, 928], sizes = [500, 32], strides = [1, 1]} : vector<500x1280xf32> to vector<500x32xf32>
    %slice3A_171 = vector.extract_strided_slice %add3A_141 {offsets = [0, 960], sizes = [500, 32], strides = [1, 1]} : vector<500x1280xf32> to vector<500x32xf32>
    %slice3A_172 = vector.extract_strided_slice %add3A_141 {offsets = [0, 992], sizes = [500, 32], strides = [1, 1]} : vector<500x1280xf32> to vector<500x32xf32>
    %slice3A_173 = vector.extract_strided_slice %add3A_141 {offsets = [0, 1024], sizes = [500, 32], strides = [1, 1]} : vector<500x1280xf32> to vector<500x32xf32>
    %slice3A_174 = vector.extract_strided_slice %add3A_141 {offsets = [0, 1056], sizes = [500, 32], strides = [1, 1]} : vector<500x1280xf32> to vector<500x32xf32>
    %slice3A_175 = vector.extract_strided_slice %add3A_141 {offsets = [0, 1088], sizes = [500, 32], strides = [1, 1]} : vector<500x1280xf32> to vector<500x32xf32>
    %slice3A_176 = vector.extract_strided_slice %add3A_141 {offsets = [0, 1120], sizes = [500, 32], strides = [1, 1]} : vector<500x1280xf32> to vector<500x32xf32>
    %slice3A_177 = vector.extract_strided_slice %add3A_141 {offsets = [0, 1152], sizes = [500, 32], strides = [1, 1]} : vector<500x1280xf32> to vector<500x32xf32>
    %slice3A_178 = vector.extract_strided_slice %add3A_141 {offsets = [0, 1184], sizes = [500, 32], strides = [1, 1]} : vector<500x1280xf32> to vector<500x32xf32>
    %slice3A_179 = vector.extract_strided_slice %add3A_141 {offsets = [0, 1216], sizes = [500, 32], strides = [1, 1]} : vector<500x1280xf32> to vector<500x32xf32>
    %slice3A_180 = vector.extract_strided_slice %add3A_141 {offsets = [0, 1248], sizes = [500, 32], strides = [1, 1]} : vector<500x1280xf32> to vector<500x32xf32>
    %concatenate3A = tpu.concatenate %slice3A, %slice3A_142, %slice3A_143, %slice3A_144, %slice3A_145, %slice3A_146, %slice3A_147, %slice3A_148, %slice3A_149, %slice3A_150, %slice3A_151, %slice3A_152, %slice3A_153, %slice3A_154, %slice3A_155, %slice3A_156, %slice3A_157, %slice3A_158, %slice3A_159, %slice3A_160, %slice3A_161, %slice3A_162, %slice3A_163, %slice3A_164, %slice3A_165, %slice3A_166, %slice3A_167, %slice3A_168, %slice3A_169, %slice3A_170, %slice3A_171, %slice3A_172, %slice3A_173, %slice3A_174, %slice3A_175, %slice3A_176, %slice3A_177, %slice3A_178, %slice3A_179, %slice3A_180 in 0 : vector<500x32xf32>, vector<500x32xf32>, vector<500x32xf32>, vector<500x32xf32>, vector<500x32xf32>, vector<500x32xf32>, vector<500x32xf32>, vector<500x32xf32>, vector<500x32xf32>, vector<500x32xf32>, vector<500x32xf32>, vector<500x32xf32>, vector<500x32xf32>, vector<500x32xf32>, vector<500x32xf32>, vector<500x32xf32>, vector<500x32xf32>, vector<500x32xf32>, vector<500x32xf32>, vector<500x32xf32>, vector<500x32xf32>, vector<500x32xf32>, vector<500x32xf32>, vector<500x32xf32>, vector<500x32xf32>, vector<500x32xf32>, vector<500x32xf32>, vector<500x32xf32>, vector<500x32xf32>, vector<500x32xf32>, vector<500x32xf32>, vector<500x32xf32>, vector<500x32xf32>, vector<500x32xf32>, vector<500x32xf32>, vector<500x32xf32>, vector<500x32xf32>, vector<500x32xf32>, vector<500x32xf32>, vector<500x32xf32> -> vector<20000x32xf32>
    %get3A_181 = arith.constant 0 : index
    %get3A_182 = arith.constant 0 : index
    %get3A_183 = vector.load %arg3[%get3A_181, %get3A_182] : memref<1x32xf32, #tpu.memory_space<vmem>>, vector<1x32xf32>
    %add3A_184 = vector.broadcast %get3A_183 : vector<1x32xf32> to vector<20000x32xf32>
    %add3A_185 = arith.addf %concatenate3A, %add3A_184 : vector<20000x32xf32>
    %gt3A = arith.constant 0.000000e+00 : f32
    %gt3A_186 = vector.broadcast %gt3A : f32 to vector<20000x32xf32>
    %gt3A_187 = arith.cmpf ogt, %add3A_185, %gt3A_186 : vector<20000x32xf32>
    %mul3A = arith.constant 0.00999999977 : f32
    %mul3A_188 = vector.broadcast %mul3A : f32 to vector<20000x32xf32>
    %mul3A_189 = arith.mulf %mul3A_188, %add3A_185 : vector<20000x32xf32>
    %select_n3A_190 = arith.select %gt3A_187, %add3A_185, %mul3A_189 : vector<20000x32xi1>, vector<20000x32xf32>
    %get3A_191 = arith.constant 0 : index
    %get3A_192 = arith.constant 0 : index
    %get3A_193 = vector.load %arg4[%get3A_191, %get3A_192] : memref<32x32xf32, #tpu.memory_space<vmem>>, vector<32x32xf32>
    %dot_general3A_194 = arith.constant dense<0.000000e+00> : vector<20000x32xf32>
    %dot_general3A_195 = tpu.matmul %select_n3A_190, %get3A_193, %dot_general3A_194 {dimension_numbers = #tpu.dot_dimension_numbers<[1], [0], [0], [1], [0, 0, 1, 1], [], []>, transpose_lhs_hint = false} : vector<20000x32xf32>, vector<32x32xf32>, vector<20000x32xf32> -> vector<20000x32xf32>
    %get3A_196 = arith.constant 0 : index
    %get3A_197 = arith.constant 0 : index
    %get3A_198 = vector.load %arg5[%get3A_196, %get3A_197] : memref<1x32xf32, #tpu.memory_space<vmem>>, vector<1x32xf32>
    %add3A_199 = vector.broadcast %get3A_198 : vector<1x32xf32> to vector<20000x32xf32>
    %add3A_200 = arith.addf %dot_general3A_195, %add3A_199 : vector<20000x32xf32>
    %gt3A_201 = arith.constant 0.000000e+00 : f32
    %gt3A_202 = vector.broadcast %gt3A_201 : f32 to vector<20000x32xf32>
    %gt3A_203 = arith.cmpf ogt, %add3A_200, %gt3A_202 : vector<20000x32xf32>
    %mul3A_204 = arith.constant 0.00999999977 : f32
    %mul3A_205 = vector.broadcast %mul3A_204 : f32 to vector<20000x32xf32>
    %mul3A_206 = arith.mulf %mul3A_205, %add3A_200 : vector<20000x32xf32>
    %select_n3A_207 = arith.select %gt3A_203, %add3A_200, %mul3A_206 : vector<20000x32xi1>, vector<20000x32xf32>
    %get3A_208 = arith.constant 0 : index
    %get3A_209 = arith.constant 0 : index
    %get3A_210 = vector.load %arg6[%get3A_208, %get3A_209] : memref<32x1xf32, #tpu.memory_space<vmem>>, vector<32x1xf32>
    %dot_general3A_211 = arith.constant dense<0.000000e+00> : vector<20000x1xf32>
    %dot_general3A_212 = tpu.matmul %select_n3A_207, %get3A_210, %dot_general3A_211 {dimension_numbers = #tpu.dot_dimension_numbers<[1], [0], [0], [1], [0, 0, 1, 1], [], []>, transpose_lhs_hint = false} : vector<20000x32xf32>, vector<32x1xf32>, vector<20000x1xf32> -> vector<20000x1xf32>
    %get3A_213 = arith.constant 0 : index
    %get3A_214 = arith.constant 0 : index
    %get3A_215 = vector.load %arg7[%get3A_213, %get3A_214] : memref<1x1xf32, #tpu.memory_space<vmem>>, vector<1x1xf32>
    %add3A_216 = vector.broadcast %get3A_215 : vector<1x1xf32> to vector<20000x1xf32>
    %add3A_217 = arith.addf %dot_general3A_212, %add3A_216 : vector<20000x1xf32>
    %add3A_218 = arith.constant 1.000000e-10 : f32
    %add3A_219 = vector.broadcast %add3A_218 : f32 to vector<20000x1xf32>
    %add3A_220 = arith.addf %add3A_217, %add3A_219 : vector<20000x1xf32>
    %max3A = arith.constant 0.000000e+00 : f32
    %max3A_221 = vector.broadcast %max3A : f32 to vector<20000x1xf32>
    %max3A_222 = arith.maximumf %add3A_220, %max3A_221 : vector<20000x1xf32>
    %abs3A = math.absf %add3A_220 : vector<20000x1xf32>
    %neg3A = arith.constant 0.000000e+00 : f32
    %neg3A_223 = vector.broadcast %neg3A : f32 to vector<20000x1xf32>
    %neg3A_224 = arith.subf %neg3A_223, %abs3A : vector<20000x1xf32>
    %exp3A = math.exp %neg3A_224 : vector<20000x1xf32>
    %log1p3A = math.log1p %exp3A : vector<20000x1xf32>
    %add3A_225 = arith.addf %max3A_222, %log1p3A : vector<20000x1xf32>
    %swap3A = arith.constant 0 : index
    %swap3A_226 = arith.constant 0 : index
    %swap3A_227 = vector.load %arg8[%swap3A, %swap3A_226] : memref<20000x1xf32, #tpu.memory_space<vmem>>, vector<20000x1xf32>
    tpu.vector_store %arg8[%swap3A, %swap3A_226], %add3A_225 {strides = array<i32>} : memref<20000x1xf32, #tpu.memory_space<vmem>>, vector<20000x1xf32>,
    return
  }
}

</mosaic_0001>

<sc_bundles>
// kernel: kernel.10.cloned.1.call-start
scs
__scs_entry_jumppad:
0x0: {  	(pc) =	sbr.rel $0x88, $3  }
0x1: {  	(tag) =	ssettag $0x0;
	lr =	simm.s32 $0x1  }
0x2: {  	[smem:$0x3F96] =	sst lr;
	_ =	strace $0xD0000000  }
0x3: {  	_ = 	snop  }
0x4: {  	_ = 	snop  }
0x5: {  	_ = 	snop  }
0x6: {  	_ = 	snop  }
0x7: {  	_ = 	snop  }
__scs_overlays_trampoline_lowered:
0x8: {  	[smem:$0x3FA5] =	sst s0  }
0x9: {  	[smem:$0x3FA6] =	sst s1  }
0xa: {  	[smem:$0x3FA7] =	sst s2  }
0xb: {  	[smem:$0x3FA8] =	sst s3  }
0xc: {  	[smem:$0x3FA9] =	sst s4  }
0xd: {  	[smem:$0x3FAA] =	sst s5  }
0xe: {  	[smem:$0x3FAB] =	sst s6  }
0xf: {  	[smem:$0x3FAC] =	sst s7  }
0x10: {  	[smem:$0x3FAD] =	sst s8  }
0x11: {  	[smem:$0x3FAE] =	sst s9;
	s0 =	simm.s32 @!p0 $0x0  }
0x12: {  	s1 =	sld [smem:$0x3F94];
	s0 =	simm.s32 @p0 $0x1  }
0x13: {  	[smem:$0x3FAF] =	sst s0;
	s0 =	simm.s32 @!p1 $0x0  }
0x14: {  	s2 =	sld [smem:$0x3F93];
	s0 =	simm.s32 @p1 $0x1  }
0x15: {  	[smem:$0x3FB0] =	sst s0;
	s0 =	simm.s32 @!p2 $0x0  }
0x16: {  	s3 =	sld [smem:$0x3FDB];
	s0 =	simm.s32 @p2 $0x1  }
0x17: {  	s4 =	simm.s32 $0x1BF5;
	[smem:$0x3FB2] =	sst s0  }
0x18: {  	s0 =	sld [smem:$0x3F95];
	_ =	swait.ge [sflag:s4], $0x0  }
0x19: {  	s7 =	sld [smem:$0x3F96]  }
0x1a: {  	s8 =	sadd.s32 $0xFFFFE003, lr  }
0x1b: {  	s9 =	sadd.s32 $0xFFFFFEF7, lr;
	s5 =	simm.s32 $0xFFFFFFFF;
	p2 =	slt.u32 s8, $0xFFFFF086  }
0x1c: {  	p1 =	slt.u32 s9, $0xF7A;
	s5 =	simm.s32 @!p2 $0x0  }
0x1d: {  	s5 =	simm.s32 @p1 $0x1;
	p0 =	seq.s32 s7, s2  }
0x1e: {  	s7 =	smul.u32 @!p0 $0xF7A, s2;
	p2 =	seq.s32 @!p0 s5, $0x0  }
0x1f: {  	s9 =	smul.u32 $0xF7A, s1;
	s8 =	simm.s32 @!p0 $0x1BF5;
	p2 =	por !p2, p0  }
0x20: {  	[sflag:s8] =	ssyncset.s32 @!p0 $0xFFFFF086;
	s6 =	sadd.s32 @!p0 s3, s7;
	s7 =	simm.s32 @!p0 $0x108  }
0x21: {  	s3 =	sadd.s32 s3, s9;
	s6 =	sadd.s32 @!p0 $0x88, s6;
	s7 =	simm.s32 @p2 $0x1082  }
0x22: {  	[simem:s7], [sflag:s8] =	dma.local @!p0 [hbm:s6], $0xF7A  }
0x23: {  	s9 =	sor.u32 $0xD0000000, s2;
	s6 =	simm.s32 $0x108;
	_ =	swait.ge @!p0 [sflag:s8], $0x0  }
0x24: {  	s3 =	sadd.s32 $0x88, s3;
	s6 =	simm.s32 @!p1 $0x1082;
	[sflag:s4] =	ssyncset.s32 $0xFFFFF086  }
0x25: {  	[simem:s6], [sflag:s4] =	dma.local [hbm:s3], $0xF7A  }
0x26: {  	[smem:$0x3F96] =	sst s1;
	(tag) =	ssettag s2;
	_ =	strace s9  }
0x27: {  	s1 =	sld [smem:$0x3FA6]  }
0x28: {  	s2 =	sld [smem:$0x3FA7]  }
0x29: {  	s4 =	sld [smem:$0x3FA9]  }
0x2a: {  	p0 =	seq.s32 s5, $0x0;
	s5 =	sld [smem:$0x3FAA]  }
0x2b: {  	s6 =	sld [smem:$0x3FAB]  }
0x2c: {  	s7 =	sld [smem:$0x3FAC]  }
0x2d: {  	s3 =	simm.s32 $0x108;
	s8 =	sld [smem:$0x3FAD]  }
0x2e: {  	s3 =	simm.s32 @!p0 $0x1082;
	s9 =	sld [smem:$0x3FAE]  }
0x2f: {  	lr =	sadd.s32 s0, s3;
	s0 =	sld [smem:$0x3FA5]  }
0x30: {  	s3 =	sld [smem:$0x3FA8]  }
0x31: {  	[smem:$0x3FB1] =	sst s10  }
0x32: {  	s10 =	sld [smem:$0x3FAF];
	_ =	sdelay $0x3  }
0x33: {  	p0 =	seq.s32 s10, $0x1;
	s10 =	sld [smem:$0x3FB1];
	_ =	sdelay $0x3  }
0x34: {  	[smem:$0x3FB1] =	sst s10  }
0x35: {  	s10 =	sld [smem:$0x3FB0];
	_ =	sdelay $0x3  }
0x36: {  	p1 =	seq.s32 s10, $0x1;
	s10 =	sld [smem:$0x3FB1];
	_ =	sdelay $0x3  }
0x37: {  	[smem:$0x3FB1] =	sst s10  }
0x38: {  	s10 =	sld [smem:$0x3FB2]  }
0x39: {  	_ = 	snop;
	(pc) =	sbr.ind lr, $3  }
0x3a: {  	_ = 	snop  }
0x3b: {  	_ = 	snop  }
0x3c: {  	p2 =	seq.s32 s10, $0x1;
	s10 =	sld [smem:$0x3FB1]  }
0x3d: {  	_ =	shalt  }
0x3e: {  	_ =	shalt  }
0x3f: {  	_ =	shalt  }
0x40: {  	_ =	shalt  }
0x41: {  	_ =	shalt  }
0x42: {  	_ =	shalt  }
0x43: {  	_ =	shalt  }
0x44: {  	_ =	shalt  }
0x45: {  	_ =	shalt  }
0x46: {  	_ =	shalt  }
0x47: {  	_ =	shalt  }
0x48: {  	_ =	shalt  }
0x49: {  	_ =	shalt  }
0x4a: {  	_ =	shalt  }
0x4b: {  	_ =	shalt  }
0x4c: {  	_ =	shalt  }
0x4d: {  	_ =	shalt  }
0x4e: {  	_ =	shalt  }
0x4f: {  	_ =	shalt  }
0x50: {  	_ =	shalt  }
0x51: {  	_ =	shalt  }
0x52: {  	_ =	shalt  }
0x53: {  	_ =	shalt  }
0x54: {  	_ =	shalt  }
0x55: {  	_ =	shalt  }
0x56: {  	_ =	shalt  }
0x57: {  	_ =	shalt  }
0x58: {  	_ =	shalt  }
0x59: {  	_ =	shalt  }
0x5a: {  	_ =	shalt  }
0x5b: {  	_ =	shalt  }
0x5c: {  	_ =	shalt  }
0x5d: {  	_ =	shalt  }
0x5e: {  	_ =	shalt  }
0x5f: {  	_ =	shalt  }
0x60: {  	_ =	shalt  }
0x61: {  	_ =	shalt  }
0x62: {  	_ =	shalt  }
0x63: {  	_ =	shalt  }
0x64: {  	_ =	shalt  }
0x65: {  	_ =	shalt  }
0x66: {  	_ =	shalt  }
0x67: {  	_ =	shalt  }
0x68: {  	_ =	shalt  }
0x69: {  	_ =	shalt  }
0x6a: {  	_ =	shalt  }
0x6b: {  	_ =	shalt  }
0x6c: {  	_ =	shalt  }
0x6d: {  	_ =	shalt  }
0x6e: {  	_ =	shalt  }
0x6f: {  	_ =	shalt  }
0x70: {  	_ =	shalt  }
0x71: {  	_ =	shalt  }
0x72: {  	_ =	shalt  }
0x73: {  	_ =	shalt  }
0x74: {  	_ =	shalt  }
0x75: {  	_ =	shalt  }
0x76: {  	_ =	shalt  }
0x77: {  	_ =	shalt  }
0x78: {  	_ =	shalt  }
0x79: {  	_ =	shalt  }
0x7a: {  	_ =	shalt  }
0x7b: {  	_ =	shalt  }
0x7c: {  	_ =	shalt  }
0x7d: {  	_ =	shalt  }
0x7e: {  	_ =	shalt  }
0x7f: {  	_ =	shalt  }
0x80: {  	_ =	shalt  }
0x81: {  	_ =	shalt  }
0x82: {  	_ =	shalt  }
0x83: {  	_ =	shalt  }
0x84: {  	_ =	shalt  }
0x85: {  	_ =	shalt  }
0x86: {  	_ =	shalt  }
0x87: {  	_ =	shalt  }
.Lfunc_end0:
.L_simem_size_0:
called_computation.1_lowered:
.L_overlay_start_0:
0x88: {  	s2 =	sld [smem:$0x3FD9]  }
0x89: {  	s3 =	sld [smem:$0x3FFE];
	_ =	sdelay $0x1  }
0x8a: {  	s1 =	srdreg.scid  }
0x8b: {  	s0 =	sand.u32 $0x1, s1  }
0x8c: {  	s16 =	sshll.u32 s0, $0xA;
	s2 =	sadd.s32 s3, s2  }
0x8d: {  	s2 =	sadd.s32 s2, s16  }
0x8e: {  	[smem:$0x3FBD] =	sst s2  }
0x8f: {  	_ = 	snop  }
0x90: {  	(tm) =	ssettm $0x1  }
0x91: {  	s17 =	sld [smem:$0x3FFB];
	_ =	sdelay $0x3  }
0x92: {  	_ =	strace s17  }
0x93: {  	s2 =	sld [smem:$0x3FFC];
	_ =	sdelay $0x3  }
0x94: {  	_ =	strace s2  }
0x95: {  	s2 =	sld [smem:$0x3FFD];
	_ =	sdelay $0x3  }
0x96: {  	_ =	strace s2  }
0x97: {  	_ =	strace $0x8FFFFFFF  }
0x98: {  	s18 =	sld [smem:$0x3FDB];
	_ =	sdelay $0x1  }
0x99: {  	s19 =	simm.s32 $_scs_section_size  }
0x9a: {  	s4 =	simm.s32 $_size__tile_overlayer_lowered;
	s5 =	simm.s32 $_tile_overlayer_lowered  }
0x9b: {  	s22 =	simm.s32 $0x1BFF;
	s21 =	sshll.u32 s5, $0x1;
	s2 =	sadd.s32 s19, s18  }
0x9c: {  	s6 =	simm.s32 $0x0;
	s20 =	sshll.u32 s4, $0x1;
	s4 =	sadd.s32 s21, s2  }
0x9d: {  	[timem:s6], [sflag:s22] =	dma.local [hbm:s4], s20  }
0x9e: {  	_ =	swait.ge [sflag:s22], s20  }
0x9f: {  	s3 =	ssub.s32 $0x0, s20;
	[sflag:s22] =	ssyncset.done $0x0  }
0xa0: {  	[sflag:s22] =	ssyncadd.s32 s3;
	_ =	sdelay $0x1  }
0xa1: {  	s23 =	simm.s32 $0x1B8B  }
0xa2: {  	_ =	swait.ge [sflag:s23], $0x1  }
0xa3: {  	[sflag:s23] =	ssyncset.done $0x0  }
0xa4: {  	s25 =	simm.s32 $0x1B8E;
	s24 =	sld [smem:$0x3FFE];
	[sflag:s23] =	ssyncadd.s32 $0xFFFFFFFF  }
0xa5: {  	s26 =	simm.s32 $execute0_lowered;
	[smem:$0x3FD2] =	sst s25  }
0xa6: {  	s4 =	sshll.u32 s26, $0x1;
	_ =	strace $0x80000049;
	[dreg:$0x1] =	wrdreg $0xFFFFFFFF  }
0xa7: {  	s28 =	simm.s32 $_size_execute0_lowered;
	s2 =	sadd.s32 s2, s4;
	[dreg:$0x0] =	wrdreg $0x0  }
0xa8: {  	s4 =	sshll.u32 s28, $0x1;
	[dreg:$0x2] =	wrdreg s2  }
0xa9: {  	[dreg:$0x3] =	wrdreg s4  }
0xaa: {  	[dreg:$0x4] =	wrdreg $0xC0  }
0xab: {  	_ =	task [dreg:s6], $0x5FFFF  }
0xac: {  	[dreg:$0x1] =	wrdreg $0xFFFFFFFF  }
0xad: {  	[dreg:$0x0] =	wrdreg $0x60  }
0xae: {  	[dreg:$0x2] =	wrdreg s24  }
0xaf: {  	[dreg:$0x3] =	wrdreg $0xA8000  }
0xb0: {  	[dreg:$0x4] =	wrdreg $0x9  }
0xb1: {  	_ =	task.clear_ibuf [dreg:s6], $0x5FFFF;
	_ =	strace $0x90000049  }
0xb2: {  	s29 =	simm.s32 $0x9;
	_ =	strace $0x8000004B  }
0xb3: {  	_ =	swait.ge [sflag:s29], $0x1  }
0xb4: {  	[sflag:s29] =	ssyncadd.s32 $0xFFFFFFFF  }
0xb5: {  	_ =	strace $0x9000004B  }
0xb6: {  	_ =	sfence  }
0xb7: {  	s30 =	sld [smem:$0x0];
	_ =	sdelay $0x2  }
0xb8: {  	s31 =	sshll.u32 s1, $0xD;
	s1 =	sshrl.u32 s1, $0x2  }
0xb9: {  	s3 =	sand.u32 $0x4000, s31;
	s1 =	sadd.s32 s1, s30  }
0xba: {  	s0 =	sor.u32 s3, s0;
	s1 =	sshll.u32 s1, $0x11  }
0xbb: {  	s0 =	sor.u32 s1, s0  }
0xbc: {  	s0 =	sadd.s32 $0x8F2B, s0  }
0xbd: {  	[sflag:s0] =	ssyncadd.remote.s32 $0x1  }
0xbe: {  	_ =	sfence.sel $0xFFFF  }
0xbf: {  	[dreg:$0x0] =	wrdreg $0xFFFFFFFF;
	(pc) =	sbr.abs _section_cstart, $3  }
0xc0: {  	[dreg:$0x1] =	wrdreg $0xFFFFFFFF  }
0xc1: {  	_ =	task.clear_ibuf [dreg:s6], $0x2FFFF;
	_ =	strace $0x9FFFFFFF  }
0xc2: {  	(tm) =	ssettm $0x7FFFFFFF  }
0xc3: {  	_ =	shalt  }
tec
execute0_lowered:
.L_overlay_start_1:
0x0: {  	(tag) =	ssettag $0x1  }
0x1: {  	s5 =	rddreg [dreg:$0x0]  }
0x2: {  	s1 =	rddreg [dreg:$0x1]  }
0x3: {  	s0 =	rddreg [dreg:$0x2];
	s2 =	simm.s32 $0x0  }
0x4: {  	s3 =	srdreg.scid;
	s17 =	simm.s32 $0x3;
	s18 =	simm.s32 $0x4000  }
0x5: {  	s19 =	simm.s32 $0x8000;
	s20 =	simm.s32 $0x50;
	s21 =	simm.s32 $0x1  }
0x6: {  	s22 =	simm.s32 $0x2;
	[smem:$0x7FF] =	sst s2;
	s6 =	sand.u32 $0x1, s3  }
0x7: {  	s25 =	simm.s32 $0x0;
	s3 =	stileid.u32;
	s7 =	smul.u32 $0x140000, s6  }
0x8: {  	s4 =	sadd.s32 $0x5C800, s5;
	_ =	strace $0x8000004A;
	s10 =	smul.u32 $0x14000, s3  }
0x9: {  	s8 =	sshll.u32 s6, $0xF;
	s9 =	sshll.u32 s3, $0xB;
	s30 =	smul.u32 $0x50000, s3  }
0xa: {  	s6 =	ssub.s32 $0x2, s6;
	s23 =	sshll.u32 s3, $0x6;
	s8 =	sor.u32 s9, s8  }
0xb: {  	s31 =	sshrl.u32 s6, $0x1;
	s23 =	sor.u32 $0x1C03, s23;
	s8 =	sadd.s32 s8, s5  }
0xc: {  	s7 =	sadd.s32 s10, s7;
	s9 =	sshrl.u32 s30, $0x2;
	s16 =	ssub.s32 s6, s31  }
0xd: {  	s7 =	sshrl.u32 s7, $0x3;
	s6 =	sadd.s32 $0x25600, s8;
	s16 =	smax.u32 s16, $0x1  }
0xe: {  	s15 =	sadd.s32 s7, s5;
	s5 =	sadd.s32 s9, s1;
	s7 =	sadd.s32 $0x15600, s8  }
0xf: {  	s8 =	sadd.s32 $0x2800, s5;
	s9 =	sadd.s32 $0x5000, s5;
	s10 =	sadd.s32 $0x7800, s5  }
0x10: {  	s11 =	sadd.s32 $0xA000, s5;
	s12 =	sadd.s32 $0xC800, s5;
	s13 =	sadd.s32 $0xF000, s5  }
0x11: {  	v0 =	vimm.f32 $0.0e+00;
	s14 =	sadd.s32 $0x11800, s5;
	s15 =	sadd.s32 $0x83A00, s15;
	s24 =	sshrl.u32 s5, $0x3  }
.LBB2_1:
0x12: {  	[tilespmem:s2], [sflag:$0x3] =	stream.linear.gather [hbm4b:s6+s2], $0x3E80, $0x38;
	[tilespmem:$0x1E800] =	vst v63  }
0x13: {  	_ =	swait.ge [sflag:s17], $0x3E80  }
0x14: {  	[sflag:s17] =	ssyncset.done $0x0  }
0x15: {  	[sflag:s17] =	ssyncadd.s32 $0xFFFFC180  }
0x16: {  	[tilespmem:s18], [sflag:$0x3] =	stream.linear.gather [hbm4b:s7+s2], $0x3E80, $0x38;
	[tilespmem:$0x1E800] =	vst v63  }
0x17: {  	_ =	swait.ge [sflag:s17], $0x3E80  }
0x18: {  	[sflag:s17] =	ssyncset.done $0x0  }
0x19: {  	s26 =	simm.s32 $0x0;
	s28 =	simm.s32 $0x200;
	[sflag:s17] =	ssyncadd.s32 $0xFFFFC180  }
.LBB2_2:
0x1a: {  	p0 =	sne.s32 s28, $0x9E00;
	[tilespmem:s26+$0x8070] =	vst v0  }
0x1b: {  	[tilespmem:s26+$0x8000] =	vst v0  }
0x1c: {  	[tilespmem:s26+$0x8010] =	vst v0  }
.Ltmp0:
0x1d: {  	[tilespmem:s26+$0x8020] =	vst v0;
	(pc) =	sbr.rel @p0 .LBB2_2-.Ltmp0, $4  }
0x1e: {  	[tilespmem:s26+$0x8030] =	vst v0  }
0x1f: {  	[tilespmem:s26+$0x8040] =	vst v0  }
0x20: {  	[tilespmem:s26+$0x8050] =	vst v0  }
0x21: {  	[tilespmem:s26+$0x8060] =	vst v0;
	s26 =	sshra.s32 s28, $0x2;
	s28 =	sadd.s32 $0x200, s28  }
0x22: {  	[tilespmem:s26+$0x8070] =	vst v0  }
0x23: {  	[tilespmem:s26+$0x8000] =	vst v0  }
0x24: {  	[tilespmem:s26+$0x8010] =	vst v0  }
0x25: {  	[tilespmem:s26+$0x8020] =	vst v0  }
0x26: {  	[tilespmem:s26+$0x8030] =	vst v0  }
0x27: {  	[tilespmem:s26+$0x8040] =	vst v0  }
0x28: {  	[tilespmem:s26+$0x8050] =	vst v0  }
0x29: {  	[tilespmem:s26+$0x8060] =	vst v0  }
0x2a: {  	[spmem:s5] =	stream.linear.scatter [tilespmem:s19], [sflag:$0x3], $0x2800, $0x38;
	[tilespmem:$0x1E800] =	vst v63  }
0x2b: {  	_ =	swait.ge [sflag:s17], $0x2800  }
0x2c: {  	[sflag:s17] =	ssyncset.done $0x0  }
0x2d: {  	[sflag:s17] =	ssyncadd.s32 $0xFFFFD800  }
0x2e: {  	[spmem:s8] =	stream.linear.scatter [tilespmem:s19], [sflag:$0x3], $0x2800, $0x38;
	[tilespmem:$0x1E800] =	vst v63  }
0x2f: {  	_ =	swait.ge [sflag:s17], $0x2800  }
0x30: {  	[sflag:s17] =	ssyncset.done $0x0  }
0x31: {  	[sflag:s17] =	ssyncadd.s32 $0xFFFFD800  }
0x32: {  	[spmem:s9] =	stream.linear.scatter [tilespmem:s19], [sflag:$0x3], $0x2800, $0x38;
	[tilespmem:$0x1E800] =	vst v63  }
0x33: {  	_ =	swait.ge [sflag:s17], $0x2800  }
0x34: {  	[sflag:s17] =	ssyncset.done $0x0  }
0x35: {  	[sflag:s17] =	ssyncadd.s32 $0xFFFFD800  }
0x36: {  	[spmem:s10] =	stream.linear.scatter [tilespmem:s19], [sflag:$0x3], $0x2800, $0x38;
	[tilespmem:$0x1E800] =	vst v63  }
0x37: {  	_ =	swait.ge [sflag:s17], $0x2800  }
0x38: {  	[sflag:s17] =	ssyncset.done $0x0  }
0x39: {  	[sflag:s17] =	ssyncadd.s32 $0xFFFFD800  }
0x3a: {  	[spmem:s11] =	stream.linear.scatter [tilespmem:s19], [sflag:$0x3], $0x2800, $0x38;
	[tilespmem:$0x1E800] =	vst v63  }
0x3b: {  	_ =	swait.ge [sflag:s17], $0x2800  }
0x3c: {  	[sflag:s17] =	ssyncset.done $0x0  }
0x3d: {  	[sflag:s17] =	ssyncadd.s32 $0xFFFFD800  }
0x3e: {  	[spmem:s12] =	stream.linear.scatter [tilespmem:s19], [sflag:$0x3], $0x2800, $0x38;
	[tilespmem:$0x1E800] =	vst v63  }
0x3f: {  	_ =	swait.ge [sflag:s17], $0x2800  }
0x40: {  	[sflag:s17] =	ssyncset.done $0x0  }
0x41: {  	[sflag:s17] =	ssyncadd.s32 $0xFFFFD800  }
0x42: {  	[spmem:s13] =	stream.linear.scatter [tilespmem:s19], [sflag:$0x3], $0x2800, $0x38;
	[tilespmem:$0x1E800] =	vst v63  }
0x43: {  	_ =	swait.ge [sflag:s17], $0x2800  }
0x44: {  	[sflag:s17] =	ssyncset.done $0x0  }
0x45: {  	[sflag:s17] =	ssyncadd.s32 $0xFFFFD800  }
0x46: {  	[spmem:s14] =	stream.linear.scatter [tilespmem:s19], [sflag:$0x3], $0x2800, $0x38;
	[tilespmem:$0x1E800] =	vst v63  }
0x47: {  	_ =	swait.ge [sflag:s17], $0x2800  }
0x48: {  	[sflag:s17] =	ssyncset.done $0x0  }
0x49: {  	[sflag:s17] =	ssyncadd.s32 $0xFFFFD800  }
0x4a: {  	s30 =	simm.s32 $0x0;
	[bflag:$0x0] =	sbarrier.arrive $0xFFFF  }
0x4b: {  	[tilespmem:s19], [sflag:$0x1] =	stream.indirect.gather [hbm4b:s4+s20], $0x80, s30, s20, $0xb8;
	[tilespmem:$0x1E800] =	vst v63  }
0x4c: {  	_ =	swait.ge [sflag:s21], $0x2800  }
0x4d: {  	[sflag:s21] =	ssyncset.done $0x0  }
0x4e: {  	s31 =	simm.s32 $0x4000;
	[sflag:s21] =	ssyncadd.s32 $0xFFFFD800  }
0x4f: {  	[spmem:s1] =	stream.indirect.scatter.add.f32 [tilespmem:s19], [sflag:$0x2], $0x80, s31, s20, $0xb8;
	[tilespmem:$0x1E800] =	vst v63  }
0x50: {  	_ =	swait.ge [sflag:s22], $0x2800  }
0x51: {  	s26 =	simm.s32 $0x200;
	s28 =	simm.s32 $0x400;
	[sflag:s22] =	ssyncset.done $0x0  }
.LBB2_4:
0x52: {  	s29 =	sshra.s32 s26, $0x2  }
0x53: {  	[sflag:s22] =	ssyncadd.s32 $0xFFFFD800;
	s26 =	smov.u32 s28;
	s30 =	sadd.s32 $0x200, s28  }
0x54: {  	[tilespmem:s19], [sflag:$0x1] =	stream.indirect.gather [hbm4b:s4+s20], $0x80, s29, s20, $0xb8;
	[tilespmem:$0x1E800] =	vst v63  }
0x55: {  	p0 =	sne.s32 s28, $0xF800;
	_ =	swait.ge [sflag:s21], $0x2800  }
.Ltmp1:
0x56: {  	[sflag:s21] =	ssyncset.done $0x0;
	(pc) =	sbr.rel @p0 .LBB2_4-.Ltmp1, $4  }
0x57: {  	s28 =	sadd.s32 $0x4000, s29;
	[sflag:s21] =	ssyncadd.s32 $0xFFFFD800  }
0x58: {  	[spmem:s1] =	stream.indirect.scatter.add.f32 [tilespmem:s19], [sflag:$0x2], $0x80, s28, s20, $0xb8;
	[tilespmem:$0x1E800] =	vst v63  }
0x59: {  	_ =	swait.ge [sflag:s22], $0x2800  }
0x5a: {  	s28 =	smov.u32 s30;
	[sflag:s22] =	ssyncset.done $0x0  }
0x5b: {  	s26 =	sshra.s32 s26, $0x2;
	[sflag:s22] =	ssyncadd.s32 $0xFFFFD800  }
0x5c: {  	[tilespmem:s19], [sflag:$0x1] =	stream.indirect.gather [hbm4b:s4+s20], $0x80, s26, s20, $0xb8;
	[tilespmem:$0x1E800] =	vst v63  }
0x5d: {  	_ =	swait.ge [sflag:s21], $0x2800  }
0x5e: {  	[sflag:s21] =	ssyncset.done $0x0  }
0x5f: {  	s26 =	sadd.s32 $0x4000, s26;
	[sflag:s21] =	ssyncadd.s32 $0xFFFFD800  }
0x60: {  	[spmem:s1] =	stream.indirect.scatter.add.f32 [tilespmem:s19], [sflag:$0x2], $0x80, s26, s20, $0xb8;
	[tilespmem:$0x1E800] =	vst v63  }
0x61: {  	_ =	swait.ge [sflag:s22], $0x2800  }
0x62: {  	s25 =	sadd.s32 $0x1, s25;
	[sflag:s22] =	ssyncset.done $0x0  }
0x63: {  	p0 =	sne.s32 s25, s16;
	[sflag:s22] =	ssyncadd.s32 $0xFFFFD800  }
.Ltmp2:
0x64: {  	[bflag:$0x0] =	sbarrier.arrive $0xFFFF;
	(pc) =	sbr.rel @p0 .LBB2_1-.Ltmp2, $4  }
0x65: {  	[hbm:s15], [sflag:s23] =	dma.local [spmem:s24], $0x2800  }
0x66: {  	_ =	swait.ge [sflag:s17], $0x2800  }
0x67: {  	[sflag:s17] =	ssyncset.done $0x0  }
0x68: {  	[sflag:s17] =	ssyncadd.s32 $0xFFFFD800  }
0x69: {  	_ =	sfence.sel $0x180000  }
0x6a: {  	[bflag:$0x0] =	sbarrier.arrive $0xFFFF  }
0x6b: {  	p0 =	sne.s32 s3, $0x0;
	_ =	strace $0x9000004A  }
0x6c: {  	s0 =	sadd.s32 @!p0 $0x100000, s0;
	[bflag:$0x2] =	sbarrier.arrive $0xFFFF  }
0x6d: {  	[sflag:s0] =	ssyncadd.tile.s32 @!p0 $0x1;
	_ =	shalt  }
.Lfunc_end2:
_tile_overlayer_lowered:
.L_overlay_start_2:
0x6e: {  	(tag) =	ssettag $0x2  }
0x6f: {  	s0 =	rddreg [dreg:$0x0];
	s2 =	stileid.u32  }
0x70: {  	s1 =	rddreg [dreg:$0x1];
	p0 =	sne.s32 s2, $0x0  }
0x71: {  	s3 =	rddreg [dreg:$0x2];
	[bflag:$0x3] =	sbarrier.arrive $0xFFFF;
	s2 =	simm.s32 @!p0 $0x1C03  }
0x72: {  	[timem:s3], [sflag:s2] =	dma.local @!p0 [hbm:s0], s1  }
0x73: {  	s0 =	simm.s32 @!p0 $0x3  }
0x74: {  	_ =	swait.ge @!p0 [sflag:s0], s1  }
0x75: {  	s1 =	ssub.s32 @!p0 $0x0, s1;
	[sflag:s0] =	ssyncset.done @!p0 $0x0  }
0x76: {  	[sflag:s0] =	ssyncadd.s32 @!p0 s1  }
0x77: {  	[bflag:$0x3] =	sbarrier.arrive $0xFFFF  }
0x78: {  	_ =	shalt  }

// kernel: kernel.7.cloned.1.call-start
scs
__scs_entry_jumppad:
0x0: {  	(pc) =	sbr.rel $0x88, $3  }
0x1: {  	(tag) =	ssettag $0x0;
	lr =	simm.s32 $0x1  }
0x2: {  	[smem:$0x3F96] =	sst lr;
	_ =	strace $0xD0000000  }
0x3: {  	_ = 	snop  }
0x4: {  	_ = 	snop  }
0x5: {  	_ = 	snop  }
0x6: {  	_ = 	snop  }
0x7: {  	_ = 	snop  }
__scs_overlays_trampoline_lowered:
0x8: {  	[smem:$0x3FA5] =	sst s0  }
0x9: {  	[smem:$0x3FA6] =	sst s1  }
0xa: {  	[smem:$0x3FA7] =	sst s2  }
0xb: {  	[smem:$0x3FA8] =	sst s3  }
0xc: {  	[smem:$0x3FA9] =	sst s4  }
0xd: {  	[smem:$0x3FAA] =	sst s5  }
0xe: {  	[smem:$0x3FAB] =	sst s6  }
0xf: {  	[smem:$0x3FAC] =	sst s7  }
0x10: {  	[smem:$0x3FAD] =	sst s8  }
0x11: {  	[smem:$0x3FAE] =	sst s9;
	s0 =	simm.s32 @!p0 $0x0  }
0x12: {  	s1 =	sld [smem:$0x3F94];
	s0 =	simm.s32 @p0 $0x1  }
0x13: {  	[smem:$0x3FAF] =	sst s0;
	s0 =	simm.s32 @!p1 $0x0  }
0x14: {  	s2 =	sld [smem:$0x3F93];
	s0 =	simm.s32 @p1 $0x1  }
0x15: {  	[smem:$0x3FB0] =	sst s0;
	s0 =	simm.s32 @!p2 $0x0  }
0x16: {  	s3 =	sld [smem:$0x3FDB];
	s0 =	simm.s32 @p2 $0x1  }
0x17: {  	s4 =	simm.s32 $0x1BF5;
	[smem:$0x3FB2] =	sst s0  }
0x18: {  	s0 =	sld [smem:$0x3F95];
	_ =	swait.ge [sflag:s4], $0x0  }
0x19: {  	s7 =	sld [smem:$0x3F96]  }
0x1a: {  	s8 =	sadd.s32 $0xFFFFE003, lr  }
0x1b: {  	s9 =	sadd.s32 $0xFFFFFEF7, lr;
	s5 =	simm.s32 $0xFFFFFFFF;
	p2 =	slt.u32 s8, $0xFFFFF086  }
0x1c: {  	p1 =	slt.u32 s9, $0xF7A;
	s5 =	simm.s32 @!p2 $0x0  }
0x1d: {  	s5 =	simm.s32 @p1 $0x1;
	p0 =	seq.s32 s7, s2  }
0x1e: {  	s7 =	smul.u32 @!p0 $0xF7A, s2;
	p2 =	seq.s32 @!p0 s5, $0x0  }
0x1f: {  	s9 =	smul.u32 $0xF7A, s1;
	s8 =	simm.s32 @!p0 $0x1BF5;
	p2 =	por !p2, p0  }
0x20: {  	[sflag:s8] =	ssyncset.s32 @!p0 $0xFFFFF086;
	s6 =	sadd.s32 @!p0 s3, s7;
	s7 =	simm.s32 @!p0 $0x108  }
0x21: {  	s3 =	sadd.s32 s3, s9;
	s6 =	sadd.s32 @!p0 $0x88, s6;
	s7 =	simm.s32 @p2 $0x1082  }
0x22: {  	[simem:s7], [sflag:s8] =	dma.local @!p0 [hbm:s6], $0xF7A  }
0x23: {  	s9 =	sor.u32 $0xD0000000, s2;
	s6 =	simm.s32 $0x108;
	_ =	swait.ge @!p0 [sflag:s8], $0x0  }
0x24: {  	s3 =	sadd.s32 $0x88, s3;
	s6 =	simm.s32 @!p1 $0x1082;
	[sflag:s4] =	ssyncset.s32 $0xFFFFF086  }
0x25: {  	[simem:s6], [sflag:s4] =	dma.local [hbm:s3], $0xF7A  }
0x26: {  	[smem:$0x3F96] =	sst s1;
	(tag) =	ssettag s2;
	_ =	strace s9  }
0x27: {  	s1 =	sld [smem:$0x3FA6]  }
0x28: {  	s2 =	sld [smem:$0x3FA7]  }
0x29: {  	s4 =	sld [smem:$0x3FA9]  }
0x2a: {  	p0 =	seq.s32 s5, $0x0;
	s5 =	sld [smem:$0x3FAA]  }
0x2b: {  	s6 =	sld [smem:$0x3FAB]  }
0x2c: {  	s7 =	sld [smem:$0x3FAC]  }
0x2d: {  	s3 =	simm.s32 $0x108;
	s8 =	sld [smem:$0x3FAD]  }
0x2e: {  	s3 =	simm.s32 @!p0 $0x1082;
	s9 =	sld [smem:$0x3FAE]  }
0x2f: {  	lr =	sadd.s32 s0, s3;
	s0 =	sld [smem:$0x3FA5]  }
0x30: {  	s3 =	sld [smem:$0x3FA8]  }
0x31: {  	[smem:$0x3FB1] =	sst s10  }
0x32: {  	s10 =	sld [smem:$0x3FAF];
	_ =	sdelay $0x3  }
0x33: {  	p0 =	seq.s32 s10, $0x1;
	s10 =	sld [smem:$0x3FB1];
	_ =	sdelay $0x3  }
0x34: {  	[smem:$0x3FB1] =	sst s10  }
0x35: {  	s10 =	sld [smem:$0x3FB0];
	_ =	sdelay $0x3  }
0x36: {  	p1 =	seq.s32 s10, $0x1;
	s10 =	sld [smem:$0x3FB1];
	_ =	sdelay $0x3  }
0x37: {  	[smem:$0x3FB1] =	sst s10  }
0x38: {  	s10 =	sld [smem:$0x3FB2]  }
0x39: {  	_ = 	snop;
	(pc) =	sbr.ind lr, $3  }
0x3a: {  	_ = 	snop  }
0x3b: {  	_ = 	snop  }
0x3c: {  	p2 =	seq.s32 s10, $0x1;
	s10 =	sld [smem:$0x3FB1]  }
0x3d: {  	_ =	shalt  }
0x3e: {  	_ =	shalt  }
0x3f: {  	_ =	shalt  }
0x40: {  	_ =	shalt  }
0x41: {  	_ =	shalt  }
0x42: {  	_ =	shalt  }
0x43: {  	_ =	shalt  }
0x44: {  	_ =	shalt  }
0x45: {  	_ =	shalt  }
0x46: {  	_ =	shalt  }
0x47: {  	_ =	shalt  }
0x48: {  	_ =	shalt  }
0x49: {  	_ =	shalt  }
0x4a: {  	_ =	shalt  }
0x4b: {  	_ =	shalt  }
0x4c: {  	_ =	shalt  }
0x4d: {  	_ =	shalt  }
0x4e: {  	_ =	shalt  }
0x4f: {  	_ =	shalt  }
0x50: {  	_ =	shalt  }
0x51: {  	_ =	shalt  }
0x52: {  	_ =	shalt  }
0x53: {  	_ =	shalt  }
0x54: {  	_ =	shalt  }
0x55: {  	_ =	shalt  }
0x56: {  	_ =	shalt  }
0x57: {  	_ =	shalt  }
0x58: {  	_ =	shalt  }
0x59: {  	_ =	shalt  }
0x5a: {  	_ =	shalt  }
0x5b: {  	_ =	shalt  }
0x5c: {  	_ =	shalt  }
0x5d: {  	_ =	shalt  }
0x5e: {  	_ =	shalt  }
0x5f: {  	_ =	shalt  }
0x60: {  	_ =	shalt  }
0x61: {  	_ =	shalt  }
0x62: {  	_ =	shalt  }
0x63: {  	_ =	shalt  }
0x64: {  	_ =	shalt  }
0x65: {  	_ =	shalt  }
0x66: {  	_ =	shalt  }
0x67: {  	_ =	shalt  }
0x68: {  	_ =	shalt  }
0x69: {  	_ =	shalt  }
0x6a: {  	_ =	shalt  }
0x6b: {  	_ =	shalt  }
0x6c: {  	_ =	shalt  }
0x6d: {  	_ =	shalt  }
0x6e: {  	_ =	shalt  }
0x6f: {  	_ =	shalt  }
0x70: {  	_ =	shalt  }
0x71: {  	_ =	shalt  }
0x72: {  	_ =	shalt  }
0x73: {  	_ =	shalt  }
0x74: {  	_ =	shalt  }
0x75: {  	_ =	shalt  }
0x76: {  	_ =	shalt  }
0x77: {  	_ =	shalt  }
0x78: {  	_ =	shalt  }
0x79: {  	_ =	shalt  }
0x7a: {  	_ =	shalt  }
0x7b: {  	_ =	shalt  }
0x7c: {  	_ =	shalt  }
0x7d: {  	_ =	shalt  }
0x7e: {  	_ =	shalt  }
0x7f: {  	_ =	shalt  }
0x80: {  	_ =	shalt  }
0x81: {  	_ =	shalt  }
0x82: {  	_ =	shalt  }
0x83: {  	_ =	shalt  }
0x84: {  	_ =	shalt  }
0x85: {  	_ =	shalt  }
0x86: {  	_ =	shalt  }
0x87: {  	_ =	shalt  }
.Lfunc_end0:
.L_simem_size_0:
called_computation_lowered:
.L_overlay_start_0:
0x88: {  	s2 =	sld [smem:$0x3FD9]  }
0x89: {  	s3 =	sld [smem:$0x3FFE];
	_ =	sdelay $0x1  }
0x8a: {  	s1 =	srdreg.scid  }
0x8b: {  	s0 =	sand.u32 $0x1, s1  }
0x8c: {  	s16 =	sshll.u32 s0, $0xA;
	s2 =	sadd.s32 s3, s2  }
0x8d: {  	s2 =	sadd.s32 s2, s16  }
0x8e: {  	[smem:$0x3FBD] =	sst s2  }
0x8f: {  	_ = 	snop  }
0x90: {  	(tm) =	ssettm $0x1  }
0x91: {  	s17 =	sld [smem:$0x3FFB];
	_ =	sdelay $0x3  }
0x92: {  	_ =	strace s17  }
0x93: {  	s2 =	sld [smem:$0x3FFC];
	_ =	sdelay $0x3  }
0x94: {  	_ =	strace s2  }
0x95: {  	s2 =	sld [smem:$0x3FFD];
	_ =	sdelay $0x3  }
0x96: {  	_ =	strace s2  }
0x97: {  	_ =	strace $0x8FFFFFFF  }
0x98: {  	s18 =	sld [smem:$0x3FDB];
	_ =	sdelay $0x1  }
0x99: {  	s19 =	simm.s32 $_scs_section_size  }
0x9a: {  	s4 =	simm.s32 $_size__tile_overlayer_lowered;
	s5 =	simm.s32 $_tile_overlayer_lowered  }
0x9b: {  	s22 =	simm.s32 $0x1BFF;
	s21 =	sshll.u32 s5, $0x1;
	s2 =	sadd.s32 s19, s18  }
0x9c: {  	s6 =	simm.s32 $0x0;
	s20 =	sshll.u32 s4, $0x1;
	s4 =	sadd.s32 s21, s2  }
0x9d: {  	[timem:s6], [sflag:s22] =	dma.local [hbm:s4], s20  }
0x9e: {  	_ =	swait.ge [sflag:s22], s20  }
0x9f: {  	s3 =	ssub.s32 $0x0, s20;
	[sflag:s22] =	ssyncset.done $0x0  }
0xa0: {  	[sflag:s22] =	ssyncadd.s32 s3;
	_ =	sdelay $0x1  }
0xa1: {  	s23 =	simm.s32 $0x1B8B  }
0xa2: {  	_ =	swait.ge [sflag:s23], $0x1  }
0xa3: {  	[sflag:s23] =	ssyncset.done $0x0  }
0xa4: {  	s25 =	simm.s32 $0x1B8E;
	s24 =	sld [smem:$0x3FFE];
	[sflag:s23] =	ssyncadd.s32 $0xFFFFFFFF  }
0xa5: {  	s26 =	simm.s32 $execute0_lowered;
	[smem:$0x3FD2] =	sst s25  }
0xa6: {  	s4 =	sshll.u32 s26, $0x1;
	_ =	strace $0x80000046;
	[dreg:$0x1] =	wrdreg $0xFFFFFFFF  }
0xa7: {  	s28 =	simm.s32 $_size_execute0_lowered;
	s2 =	sadd.s32 s2, s4;
	[dreg:$0x0] =	wrdreg $0x0  }
0xa8: {  	s4 =	sshll.u32 s28, $0x1;
	[dreg:$0x2] =	wrdreg s2  }
0xa9: {  	[dreg:$0x3] =	wrdreg s4  }
0xaa: {  	[dreg:$0x4] =	wrdreg $0xC0  }
0xab: {  	_ =	task [dreg:s6], $0x5FFFF  }
0xac: {  	[dreg:$0x1] =	wrdreg $0xFFFFFFFF  }
0xad: {  	[dreg:$0x0] =	wrdreg $0x60  }
0xae: {  	[dreg:$0x2] =	wrdreg s24  }
0xaf: {  	[dreg:$0x3] =	wrdreg $0x9  }
0xb0: {  	_ =	task.clear_ibuf [dreg:s6], $0x4FFFF;
	_ =	strace $0x90000046  }
0xb1: {  	s29 =	simm.s32 $0x9;
	_ =	strace $0x80000048  }
0xb2: {  	_ =	swait.ge [sflag:s29], $0x1  }
0xb3: {  	[sflag:s29] =	ssyncadd.s32 $0xFFFFFFFF  }
0xb4: {  	_ =	strace $0x90000048  }
0xb5: {  	_ =	sfence  }
0xb6: {  	s30 =	sld [smem:$0x0];
	_ =	sdelay $0x2  }
0xb7: {  	s31 =	sshll.u32 s1, $0xD;
	s1 =	sshrl.u32 s1, $0x2  }
0xb8: {  	s3 =	sand.u32 $0x4000, s31;
	s1 =	sadd.s32 s1, s30  }
0xb9: {  	s0 =	sor.u32 s3, s0;
	s1 =	sshll.u32 s1, $0x11  }
0xba: {  	s0 =	sor.u32 s1, s0  }
0xbb: {  	s0 =	sadd.s32 $0x8F2B, s0  }
0xbc: {  	[sflag:s0] =	ssyncadd.remote.s32 $0x1  }
0xbd: {  	_ =	sfence.sel $0xFFFF  }
0xbe: {  	[dreg:$0x0] =	wrdreg $0xFFFFFFFF;
	(pc) =	sbr.abs _section_cstart, $3  }
0xbf: {  	[dreg:$0x1] =	wrdreg $0xFFFFFFFF  }
0xc0: {  	_ =	task.clear_ibuf [dreg:s6], $0x2FFFF;
	_ =	strace $0x9FFFFFFF  }
0xc1: {  	(tm) =	ssettm $0x7FFFFFFF  }
tec
execute0_lowered:
.L_overlay_start_1:
0x0: {  	(tag) =	ssettag $0x1  }
0x1: {  	s0 =	srdreg.scid  }
0x2: {  	s3 =	sand.u32 $0x1, s0  }
0x3: {  	s0 =	stileid.u32;
	s1 =	sshll.u32 s3, $0x4  }
0x4: {  	s5 =	rddreg [dreg:$0x0];
	s2 =	simm.s32 $0x0;
	s1 =	sor.u32 s0, s1  }
0x5: {  	s7 =	simm.s32 $0x400;
	s8 =	simm.s32 $0x1;
	s1 =	sshrl.u32 s1, $0x3  }
0x6: {  	s9 =	simm.s32 $0x2780;
	s30 =	sshll.u32 s0, $0x7;
	s4 =	smul.u32 $0x13C00, s1  }
0x7: {  	s10 =	simm.s32 $0x0;
	s3 =	ssub.s32 $0x2, s3;
	s6 =	sand.u32 $0x380, s30  }
0x8: {  	[smem:$0x7FF] =	sst s2;
	s31 =	sshrl.u32 s3, $0x1;
	s4 =	sor.u32 s6, s4  }
0x9: {  	s1 =	rddreg [dreg:$0x1];
	_ =	strace $0x80000047;
	s4 =	sshrl.u32 s4, $0x3  }
0xa: {  	s6 =	simm.s32 $0x80;
	s4 =	sadd.s32 s4, s5;
	s5 =	ssub.s32 s3, s31  }
0xb: {  	v0 =	vimm.f32 $0.0e+00;
	v1 =	vimm.f32 $1.000000000e+00;
	s3 =	sadd.s32 $0x1A00, s4;
	s4 =	sadd.s32 $0xB800, s4;
	s5 =	smax.u32 s5, $0x1  }
.LBB2_1:
0xc: {  	[tilespmem:s2], [sflag:$0x1] =	stream.strided.gather [hbm4b:s3+s6], $0x2780, s7, s6, $0x38;
	[tilespmem:$0x4F00] =	vst v63  }
0xd: {  	_ =	swait.ge [sflag:s8], $0x2780  }
0xe: {  	[sflag:s8] =	ssyncset.done $0x0  }
0xf: {  	s11 =	simm.s32 $0x0;
	[sflag:s8] =	ssyncadd.s32 $0xFFFFD880  }
.LBB2_2:
0x10: {  	p0 =	sne.s32 s11, $0x9C00  }
.Ltmp0:
0x11: {  	_ = 	snop;
	(pc) =	sbr.rel @p0 .LBB2_2-.Ltmp0, $3  }
0x12: {  	_ =	sdelay $0x1  }
0x13: {  	s12 =	sshra.s32 s11, $0x2  }
0x14: {  	s11 =	sadd.s32 $0x40, s11;
	[tilespmem:s12+$0x2780] =	vst v0  }
0x15: {  	s12 =	simm.s32 $0x0;
	s11 =	simm.s32 $0x40  }
.LBB2_4:
0x16: {  	p0 =	sne.s32 s11, $0x9C00;
	v2 =	vld [tilespmem:s12+$0x0];
	_ =	sdelay $0x3  }
.Ltmp1:
0x17: {  	(pc) =	sbr.rel @p0 .LBB2_4-.Ltmp1, $2  }
0x18: {  	_ =	sdelay $0x2  }
0x19: {  	s12 =	sshra.s32 s11, $0x2;
	s11 =	sadd.s32 $0x40, s11;
	[tilespmem:v2+s9+$0x0] =	vst.idx.add.f32.msk $0xffff, v1  }
0x1a: {  	v2 =	vld [tilespmem:s12+$0x0];
	_ =	sdelay $0x5  }
0x1b: {  	s10 =	sadd.s32 $0x1, s10  }
0x1c: {  	p0 =	sne.s32 s10, s5  }
.Ltmp2:
0x1d: {  	[tilespmem:v2+s9+$0x0] =	vst.idx.add.f32.msk $0xffff, v1;
	(pc) =	sbr.rel @p0 .LBB2_1-.Ltmp2, $4  }
0x1e: {  	[hbm4b:s4+s6] =	stream.strided.scatter [tilespmem:s9], [sflag:$0x1], $0x2780, s7, s6, $0x38;
	[tilespmem:$0x4F00] =	vst v63  }
0x1f: {  	_ =	swait.ge [sflag:s8], $0x2780  }
0x20: {  	[sflag:s8] =	ssyncset.done $0x0  }
0x21: {  	[sflag:s8] =	ssyncadd.s32 $0xFFFFD880  }
0x22: {  	_ =	sfence.sel $0x180000  }
0x23: {  	[bflag:$0x0] =	sbarrier.arrive $0xFFFF  }
0x24: {  	p0 =	sne.s32 s0, $0x0;
	_ =	strace $0x90000047  }
0x25: {  	s0 =	sadd.s32 @!p0 $0x100000, s1;
	[bflag:$0x2] =	sbarrier.arrive $0xFFFF  }
0x26: {  	[sflag:s0] =	ssyncadd.tile.s32 @!p0 $0x1;
	_ =	shalt  }
.Lfunc_end2:
_tile_overlayer_lowered:
.L_overlay_start_2:
0x27: {  	(tag) =	ssettag $0x2  }
0x28: {  	s0 =	rddreg [dreg:$0x0];
	s2 =	stileid.u32  }
0x29: {  	s1 =	rddreg [dreg:$0x1];
	p0 =	sne.s32 s2, $0x0  }
0x2a: {  	s3 =	rddreg [dreg:$0x2];
	[bflag:$0x3] =	sbarrier.arrive $0xFFFF;
	s2 =	simm.s32 @!p0 $0x1C01  }
0x2b: {  	[timem:s3], [sflag:s2] =	dma.local @!p0 [hbm:s0], s1  }
0x2c: {  	s0 =	simm.s32 @!p0 $0x1  }
0x2d: {  	_ =	swait.ge @!p0 [sflag:s0], s1  }
0x2e: {  	s1 =	ssub.s32 @!p0 $0x0, s1;
	[sflag:s0] =	ssyncset.done @!p0 $0x0  }
0x2f: {  	[sflag:s0] =	ssyncadd.s32 @!p0 s1  }
0x30: {  	[bflag:$0x3] =	sbarrier.arrive $0xFFFF  }
0x31: {  	_ =	shalt  }

</sc_bundles>
